<compile_context>
chip_gen: v7x
topology: tpu7x:2x2x1
jax: 0.10.2.dev20260603
libtpu: 0.0.44.dev20260713+nightly
codegen_flags: <defaults>
</compile_context>

<pallas_src>
import functools

import jax
import jax.numpy as jnp
from jax import lax
from jax.experimental import pallas as pl
from jax.experimental.pallas import tpu as pltpu
from jax.experimental.pallas import tpu_sc as plsc

N, E, C, K = 10000, 320000, 128, 27
EPS = 1e-5

NC, NS = 2, 16
EW = E // (NC * NS)
CH = 128
NCH = 80
EWP = NCH * CH
NPH = NCH // 2
NPAD = 10240
DUMMY = N
ZR = NPAD // NS
NBUF = 2

_mesh = plsc.VectorSubcoreMesh(core_axis_name="c", subcore_axis_name="s",
                               num_cores=NC, num_subcores=NS)


@functools.partial(
    pl.kernel,
    out_type=pltpu.HBM((NC * NPAD, C), jnp.float32),
    mesh=_mesh,
    scratch_types=[
        pltpu.VMEM((NPH, CH), jnp.int32),
        pltpu.VMEM((NPH, CH), jnp.int32),
        pltpu.VMEM((CH, C), jnp.float32),
        pltpu.VMEM((CH, C), jnp.float32),
        pltpu.VMEM_SHARED((NPAD, C), jnp.float32),
        pltpu.SemaphoreType.DMA,
        pltpu.SemaphoreType.DMA,
    ],
)
def _sc_gather_segsum(gidx_h, sidx_h, xk_h, out_h,
                      gidx, sidx, rows0, rows1, acc, sem0, sem1):
    c = lax.axis_index("c")
    s = lax.axis_index("s")
    wid = c * NS + s
    rows = (rows0, rows1)
    sems = (sem0, sem1)

    zero16 = jnp.zeros((16,), jnp.float32)

    def _zrow(r, carry):
        for l in range(C // 16):
            rows0[r, pl.ds(l * 16, 16)] = zero16
        return carry

    lax.fori_loop(0, CH, _zrow, 0)
    for z in range(ZR // CH):
        pltpu.sync_copy(rows0, acc.at[pl.ds(s * ZR + z * CH, CH)])
    plsc.subcore_barrier()

    def _start(b, j):
        pltpu.async_copy(xk_h.at[gidx.at[j]], rows[b], sems[b])

    def _wait(b):
        pltpu.make_async_copy(xk_h.at[gidx.at[0]], rows[b], sems[b]).wait()

    def _scat(b, j):
        pltpu.sync_copy(rows[b], acc.at[sidx.at[j]], add=True)

    for c0 in (0, NPH):
        pltpu.sync_copy(gidx_h.at[wid, pl.ds(c0, NPH)], gidx)
        pltpu.sync_copy(sidx_h.at[wid, pl.ds(c0, NPH)], sidx)
        for b in range(NBUF):
            _start(b, b)

        def _step(t, carry):
            base = t * NBUF
            for b in range(NBUF):
                j = base + b
                _wait(b)
                _scat(b, j)
                _start(b, j + NBUF)
            return carry

        lax.fori_loop(0, (NPH - NBUF) // NBUF, _step, 0)
        for j in range(NPH - NBUF, NPH):
            b = j % NBUF
            _wait(b)
            _scat(b, j)

    plsc.subcore_barrier()
    pltpu.sync_copy(acc.at[pl.ds(s * ZR, ZR)],
                    out_h.at[pl.ds(c * NPAD + s * ZR, ZR)])


BN1 = 2000
NB = N // BN1


def _mm1_body(x_ref, w_ref, o_ref):
    o_ref[0] = jnp.dot(x_ref[...], w_ref[0], preferred_element_type=jnp.float32)


def _einsum_xw(xin, W):
    return pl.pallas_call(
        _mm1_body,
        grid=(NB, K),
        in_specs=[pl.BlockSpec((BN1, C), lambda nb, k: (nb, 0)),
                  pl.BlockSpec((1, C, C), lambda nb, k: (k, 0, 0))],
        out_specs=pl.BlockSpec((1, BN1, C), lambda nb, k: (k, nb, 0)),
        out_shape=jax.ShapeDtypeStruct((K, N, C), jnp.float32),
    )(xin, W)


_pblk0 = pl.BlockSpec((1, BN1, C), lambda i, *_: (0, i, 0))
_pblk1 = pl.BlockSpec((1, BN1, C), lambda i, *_: (1, i, 0))


def _stats_body(pa_ref, pb_ref, s_ref, q_ref):
    y = pa_ref[0] + pb_ref[0]

    @pl.when(pl.program_id(0) == 0)
    def _():
        s_ref[...] = jnp.zeros_like(s_ref)
        q_ref[...] = jnp.zeros_like(q_ref)

    s_ref[...] += jnp.sum(y, axis=0, keepdims=True)
    q_ref[...] += jnp.sum(y * y, axis=0, keepdims=True)


def _stats(p):
    return pl.pallas_call(
        _stats_body,
        grid=(NB,),
        in_specs=[_pblk0, _pblk1],
        out_specs=[pl.BlockSpec((1, C), lambda i: (0, 0)),
                   pl.BlockSpec((1, C), lambda i: (0, 0))],
        out_shape=[jax.ShapeDtypeStruct((1, C), jnp.float32),
                   jax.ShapeDtypeStruct((1, C), jnp.float32)],
    )(p, p)


def _mm2_body(pa_ref, pb_ref, s_ref, q_ref, g_ref, b_ref, w_ref, o_ref):
    mu = s_ref[0] * (1.0 / N)
    var = q_ref[0] * (1.0 / N) - mu * mu
    inv = lax.rsqrt(var + EPS) * g_ref[0]
    yn = jnp.maximum((pa_ref[0] + pb_ref[0] - mu) * inv + b_ref[0], 0.0)
    o_ref[0] = jnp.dot(yn, w_ref[0], preferred_element_type=jnp.float32)


def _einsum_bn_relu(p, ssum, sq, gamma, beta, W):
    vec = pl.BlockSpec((1, C), lambda nb, k: (0, 0))
    return pl.pallas_call(
        _mm2_body,
        grid=(NB, K),
        in_specs=[_pblk0, _pblk1, vec, vec, vec, vec,
                  pl.BlockSpec((1, C, C), lambda nb, k: (k, 0, 0))],
        out_specs=pl.BlockSpec((1, BN1, C), lambda nb, k: (k, nb, 0)),
        out_shape=jax.ShapeDtypeStruct((K, N, C), jnp.float32),
    )(p, p, ssum, sq, gamma, beta, W)


def _fin_body(pa_ref, pb_ref, s_ref, q_ref, g_ref, b_ref, x_ref, o_ref):
    mu = s_ref[0] * (1.0 / N)
    var = q_ref[0] * (1.0 / N) - mu * mu
    inv = lax.rsqrt(var + EPS) * g_ref[0]
    o_ref[...] = jnp.maximum(
        (pa_ref[0] + pb_ref[0] - mu) * inv + b_ref[0] + x_ref[...], 0.0)


def _final(p, ssum, sq, gamma, beta, x):
    blk = pl.BlockSpec((BN1, C), lambda i: (i, 0))
    vec = pl.BlockSpec((1, C), lambda i: (0, 0))
    return pl.pallas_call(
        _fin_body,
        grid=(NB,),
        in_specs=[_pblk0, _pblk1, vec, vec, vec, vec, blk],
        out_specs=blk,
        out_shape=jax.ShapeDtypeStruct((N, C), jnp.float32),
    )(p, p, ssum, sq, gamma, beta, x)


def kernel(x, edge_index, kernel_offset, W1, gamma1, beta1, W2, gamma2, beta2):
    src = edge_index[0]
    dst = edge_index[1]
    off = kernel_offset
    g1 = gamma1.reshape(1, C)
    b1 = beta1.reshape(1, C)
    g2 = gamma2.reshape(1, C)
    b2 = beta2.reshape(1, C)

    gflat = (off * N + src).reshape(NC * NS, EW)
    sflat = dst.reshape(NC * NS, EW)
    gidx = jnp.pad(gflat, ((0, 0), (0, EWP - EW))).reshape(NC * NS, NCH, CH)
    sidx = jnp.pad(sflat, ((0, 0), (0, EWP - EW)),
                   constant_values=DUMMY).reshape(NC * NS, NCH, CH)
    gidx_r = jax.new_ref(gidx, memory_space=pltpu.MemorySpace.HBM)
    sidx_r = jax.new_ref(sidx, memory_space=pltpu.MemorySpace.HBM)

    xk1 = _einsum_xw(x, W1).reshape(K * N, C)
    xk1_r = jax.new_ref(xk1, memory_space=pltpu.MemorySpace.HBM)
    p1 = _sc_gather_segsum(gidx_r, sidx_r, xk1_r).reshape(NC, NPAD, C)
    s1, q1 = _stats(p1)
    xk2 = _einsum_bn_relu(p1, s1, q1, g1, b1, W2).reshape(K * N, C)
    xk2_r = jax.new_ref(xk2, memory_space=pltpu.MemorySpace.HBM)
    p2 = _sc_gather_segsum(gidx_r, sidx_r, xk2_r).reshape(NC, NPAD, C)
    s2, q2 = _stats(p2)
    return _final(p2, s2, q2, g2, b2, x)

# --- scband reference (transcript-rebuilt; emitter-appended) ---
"""Pipeline reference for scband-basic-block-base-44143673869075 (READ-ONLY COPY).

The authoritative reference and input builder live on the scoring server;
editing this copy changes nothing except your own understanding.
"""

import jax, jax.numpy as jnp
import numpy as np

N, E, C, K = 10000, 320000, 128, 27

def sparse_conv(x, W, src, dst, off, n):
    # Minkowski sparse conv as message passing: out[j] = sum_{(i->j,k)} W[k]^T x[i]
    xk = jnp.einsum('nc,kcd->nkd', x, W)          # precompute x @ W[k] for every offset
    msgs = xk[src, off]                           # gather per-edge transformed features
    return jax.ops.segment_sum(msgs, dst, num_segments=n)

def batch_norm(x, gamma, beta, eps=1e-5):
    mu = jnp.mean(x, axis=0)
    var = jnp.var(x, axis=0)
    return (x - mu) * jax.lax.rsqrt(var + eps) * gamma + beta

def setup_inputs(seed: int = 0):
    key = jax.random.key(seed)
    ks = jax.random.split(key, 8)
    x = jax.random.normal(ks[0], (N, C), dtype=jnp.float32)
    edge_index = jax.random.randint(ks[1], (2, E), 0, N, dtype=jnp.int32)
    kernel_offset = jax.random.randint(ks[2], (E,), 0, K, dtype=jnp.int32)
    scale = 1.0 / np.sqrt(C * K)
    W1 = jax.random.normal(ks[3], (K, C, C), dtype=jnp.float32) * scale
    W2 = jax.random.normal(ks[4], (K, C, C), dtype=jnp.float32) * scale
    gamma1 = jnp.ones((C,), dtype=jnp.float32)
    beta1 = jnp.zeros((C,), dtype=jnp.float32)
    gamma2 = jnp.ones((C,), dtype=jnp.float32)
    beta2 = jnp.zeros((C,), dtype=jnp.float32)
    return {"x": x, "edge_index": edge_index, "kernel_offset": kernel_offset,
            "W1": W1, "gamma1": gamma1, "beta1": beta1,
            "W2": W2, "gamma2": gamma2, "beta2": beta2}

def reference(x, edge_index, kernel_offset, W1, gamma1, beta1, W2, gamma2, beta2):
    src = edge_index[0]
    dst = edge_index[1]
    residual = x
    out = sparse_conv(x, W1, src, dst, kernel_offset, N)
    out = batch_norm(out, gamma1, beta1)
    out = jax.nn.relu(out)
    out = sparse_conv(out, W2, src, dst, kernel_offset, N)
    out = batch_norm(out, gamma2, beta2)
    out = out + residual  # downsample is None (stride=1, inplanes==planes)
    out = jax.nn.relu(out)
    return out

if __name__ == "__main__":
    import jax
    _d = setup_inputs()
    print(jax.jit(kernel)(*tuple(_d.values())))

</pallas_src>

<mosaic_0001>
#map = affine_map<(d0, d1) -> (0, 0, 0)>
#map1 = affine_map<(d0, d1) -> (0, 0)>
module attributes {stable_mosaic.version = 14 : i64} {
  func.func @new_body(%arg0: i32, %arg1: i32, %arg2: memref<32x80x128xi32, #tpu.memory_space<hbm>>, %arg3: memref<32x80x128xi32, #tpu.memory_space<hbm>>, %arg4: memref<270000x128xf32, #tpu.memory_space<hbm>>, %arg5: memref<20480x128xf32, #tpu.memory_space<hbm>>, %arg6: memref<32x80x128xi32, #tpu.memory_space<hbm>>, %arg7: memref<32x80x128xi32, #tpu.memory_space<hbm>>, %arg8: memref<270000x128xf32, #tpu.memory_space<hbm>>, %arg9: memref<40x128xi32, #tpu.memory_space<vmem>>, %arg10: memref<40x128xi32, #tpu.memory_space<vmem>>, %arg11: memref<128x128xf32, #tpu.memory_space<vmem>>, %arg12: memref<128x128xf32, #tpu.memory_space<vmem>>, %arg13: memref<10240x128xf32, #tpu.memory_space<vmem_shared>>, %arg14: memref<!tpu.dma_semaphore, #tpu.memory_space<semaphore_mem>>, %arg15: memref<!tpu.dma_semaphore, #tpu.memory_space<semaphore_mem>>) attributes {dimension_semantics = [#tpu.dimension_semantics<core_parallel>, #tpu.dimension_semantics<subcore_parallel>], iteration_bounds = array<i64: 2, 16>, scalar_prefetch = 0 : i64, scratch_operands = 7 : i64, tpu.core_type = #tpu.core_type<sc_vector_subcore>, window_params = [{transform_indices = #map}, {transform_indices = #map}, {transform_indices = #map1}, {transform_indices = #map1}, {transform_indices = #map}, {transform_indices = #map}, {transform_indices = #map1}]} {
    %mul3A = arith.constant 16 : i32
    %mul3A_0 = arith.muli %arg0, %mul3A : i32
    %add3A = arith.addi %mul3A_0, %arg1 : i32
    %broadcast_in_dim3A = arith.constant 0.000000e+00 : f32
    %broadcast_in_dim3A_1 = vector.broadcast %broadcast_in_dim3A : f32 to vector<16xf32>
    %scan3A = arith.constant 0 : i32
    %scan3A_2 = arith.constant 0 : i32
    %scan3A_3 = arith.constant 128 : i32
    %scan3A_4 = arith.addi %scan3A_2, %scan3A_3 : i32
    %scan3A_5 = arith.constant 1 : i32
    scf.for %scan3A_104 = %scan3A_2 to %scan3A_4 step %scan3A_5  : i32 {
      %swap3A = arith.index_cast %scan3A_104 : i32 to index
      %swap3A_105 = arith.constant 0 : index
      %swap3A_106 = tpu.vector_load %arg11[%swap3A, %swap3A_105] {strides = array<i32>} : memref<128x128xf32, #tpu.memory_space<vmem>>, vector<1x16xf32>,
      %swap3A_107 = vector.shape_cast %swap3A_106 : vector<1x16xf32> to vector<16xf32>
      %swap3A_108 = vector.shape_cast %broadcast_in_dim3A_1 : vector<16xf32> to vector<1x16xf32>
      tpu.vector_store %arg11[%swap3A, %swap3A_105], %swap3A_108 {strides = array<i32>} : memref<128x128xf32, #tpu.memory_space<vmem>>, vector<1x16xf32>,
      %swap3A_109 = arith.index_cast %scan3A_104 : i32 to index
      %swap3A_110 = arith.constant 16 : index
      %swap3A_111 = tpu.vector_load %arg11[%swap3A_109, %swap3A_110] {strides = array<i32>} : memref<128x128xf32, #tpu.memory_space<vmem>>, vector<1x16xf32>,
      %swap3A_112 = vector.shape_cast %swap3A_111 : vector<1x16xf32> to vector<16xf32>
      %swap3A_113 = vector.shape_cast %broadcast_in_dim3A_1 : vector<16xf32> to vector<1x16xf32>
      tpu.vector_store %arg11[%swap3A_109, %swap3A_110], %swap3A_113 {strides = array<i32>} : memref<128x128xf32, #tpu.memory_space<vmem>>, vector<1x16xf32>,
      %swap3A_114 = arith.index_cast %scan3A_104 : i32 to index
      %swap3A_115 = arith.constant 32 : index
      %swap3A_116 = tpu.vector_load %arg11[%swap3A_114, %swap3A_115] {strides = array<i32>} : memref<128x128xf32, #tpu.memory_space<vmem>>, vector<1x16xf32>,
      %swap3A_117 = vector.shape_cast %swap3A_116 : vector<1x16xf32> to vector<16xf32>
      %swap3A_118 = vector.shape_cast %broadcast_in_dim3A_1 : vector<16xf32> to vector<1x16xf32>
      tpu.vector_store %arg11[%swap3A_114, %swap3A_115], %swap3A_118 {strides = array<i32>} : memref<128x128xf32, #tpu.memory_space<vmem>>, vector<1x16xf32>,
      %swap3A_119 = arith.index_cast %scan3A_104 : i32 to index
      %swap3A_120 = arith.constant 48 : index
      %swap3A_121 = tpu.vector_load %arg11[%swap3A_119, %swap3A_120] {strides = array<i32>} : memref<128x128xf32, #tpu.memory_space<vmem>>, vector<1x16xf32>,
      %swap3A_122 = vector.shape_cast %swap3A_121 : vector<1x16xf32> to vector<16xf32>
      %swap3A_123 = vector.shape_cast %broadcast_in_dim3A_1 : vector<16xf32> to vector<1x16xf32>
      tpu.vector_store %arg11[%swap3A_119, %swap3A_120], %swap3A_123 {strides = array<i32>} : memref<128x128xf32, #tpu.memory_space<vmem>>, vector<1x16xf32>,
      %swap3A_124 = arith.index_cast %scan3A_104 : i32 to index
      %swap3A_125 = arith.constant 64 : index
      %swap3A_126 = tpu.vector_load %arg11[%swap3A_124, %swap3A_125] {strides = array<i32>} : memref<128x128xf32, #tpu.memory_space<vmem>>, vector<1x16xf32>,
      %swap3A_127 = vector.shape_cast %swap3A_126 : vector<1x16xf32> to vector<16xf32>
      %swap3A_128 = vector.shape_cast %broadcast_in_dim3A_1 : vector<16xf32> to vector<1x16xf32>
      tpu.vector_store %arg11[%swap3A_124, %swap3A_125], %swap3A_128 {strides = array<i32>} : memref<128x128xf32, #tpu.memory_space<vmem>>, vector<1x16xf32>,
      %swap3A_129 = arith.index_cast %scan3A_104 : i32 to index
      %swap3A_130 = arith.constant 80 : index
      %swap3A_131 = tpu.vector_load %arg11[%swap3A_129, %swap3A_130] {strides = array<i32>} : memref<128x128xf32, #tpu.memory_space<vmem>>, vector<1x16xf32>,
      %swap3A_132 = vector.shape_cast %swap3A_131 : vector<1x16xf32> to vector<16xf32>
      %swap3A_133 = vector.shape_cast %broadcast_in_dim3A_1 : vector<16xf32> to vector<1x16xf32>
      tpu.vector_store %arg11[%swap3A_129, %swap3A_130], %swap3A_133 {strides = array<i32>} : memref<128x128xf32, #tpu.memory_space<vmem>>, vector<1x16xf32>,
      %swap3A_134 = arith.index_cast %scan3A_104 : i32 to index
      %swap3A_135 = arith.constant 96 : index
      %swap3A_136 = tpu.vector_load %arg11[%swap3A_134, %swap3A_135] {strides = array<i32>} : memref<128x128xf32, #tpu.memory_space<vmem>>, vector<1x16xf32>,
      %swap3A_137 = vector.shape_cast %swap3A_136 : vector<1x16xf32> to vector<16xf32>
      %swap3A_138 = vector.shape_cast %broadcast_in_dim3A_1 : vector<16xf32> to vector<1x16xf32>
      tpu.vector_store %arg11[%swap3A_134, %swap3A_135], %swap3A_138 {strides = array<i32>} : memref<128x128xf32, #tpu.memory_space<vmem>>, vector<1x16xf32>,
      %swap3A_139 = arith.index_cast %scan3A_104 : i32 to index
      %swap3A_140 = arith.constant 112 : index
      %swap3A_141 = tpu.vector_load %arg11[%swap3A_139, %swap3A_140] {strides = array<i32>} : memref<128x128xf32, #tpu.memory_space<vmem>>, vector<1x16xf32>,
      %swap3A_142 = vector.shape_cast %swap3A_141 : vector<1x16xf32> to vector<16xf32>
      %swap3A_143 = vector.shape_cast %broadcast_in_dim3A_1 : vector<16xf32> to vector<1x16xf32>
      tpu.vector_store %arg11[%swap3A_139, %swap3A_140], %swap3A_143 {strides = array<i32>} : memref<128x128xf32, #tpu.memory_space<vmem>>, vector<1x16xf32>,
    }
    %scan3A_6 = arith.constant 128 : i32
    %mul3A_7 = arith.constant 640 : i32
    %mul3A_8 = arith.muli %arg1, %mul3A_7 : i32
    %add3A_9 = arith.constant 0 : i32
    %add3A_10 = arith.addi %mul3A_8, %add3A_9 : i32
    "tpu.region"() ({
      %run_scoped3A_104 = tpu.sem_alloc : memref<!tpu.dma_semaphore, #tpu.memory_space<semaphore_mem>>
      %dma_start3A_105 = arith.constant 0 : i32
      %dma_start3A_106 = tpu.memref_slice %arg13[%add3A_10, %dma_start3A_105] : memref<10240x128xf32, #tpu.memory_space<vmem_shared>> -> memref<128x128xf32, #tpu.memory_space<vmem_shared>>
      %dma_start3A_107 = arith.constant 0 : i32
      %dma_start3A_108 = tpu.memref_slice %arg13[%add3A_10, %dma_start3A_107] : memref<10240x128xf32, #tpu.memory_space<vmem_shared>> -> memref<128x128xf32, #tpu.memory_space<vmem_shared>>
      tpu.enqueue_dma source(%arg11 : memref<128x128xf32, #tpu.memory_space<vmem>>) target(%dma_start3A_108 : memref<128x128xf32, #tpu.memory_space<vmem_shared>>) target_semaphore(%run_scoped3A_104 : memref<!tpu.dma_semaphore, #tpu.memory_space<semaphore_mem>>)
      %dma_wait3A_109 = arith.constant 0 : i32
      %dma_wait3A_110 = tpu.memref_slice %arg13[%add3A_10, %dma_wait3A_109] : memref<10240x128xf32, #tpu.memory_space<vmem_shared>> -> memref<128x128xf32, #tpu.memory_space<vmem_shared>>
      %dma_wait3A_111 = arith.constant 0 : i32
      %dma_wait3A_112 = tpu.memref_slice %arg13[%add3A_10, %dma_wait3A_111] : memref<10240x128xf32, #tpu.memory_space<vmem_shared>> -> memref<128x128xf32, #tpu.memory_space<vmem_shared>>
      tpu.wait_dma2 semaphore(%run_scoped3A_104 : memref<!tpu.dma_semaphore, #tpu.memory_space<semaphore_mem>>) src(%arg11 : memref<128x128xf32, #tpu.memory_space<vmem>>) dst(%dma_wait3A_112 : memref<128x128xf32, #tpu.memory_space<vmem_shared>>)
      tpu.yield
    }) : () -> ()
    %mul3A_11 = arith.constant 640 : i32
    %mul3A_12 = arith.muli %arg1, %mul3A_11 : i32
    %add3A_13 = arith.constant 128 : i32
    %add3A_14 = arith.addi %mul3A_12, %add3A_13 : i32
    "tpu.region"() ({
      %run_scoped3A_104 = tpu.sem_alloc : memref<!tpu.dma_semaphore, #tpu.memory_space<semaphore_mem>>
      %dma_start3A_105 = arith.constant 0 : i32
      %dma_start3A_106 = tpu.memref_slice %arg13[%add3A_14, %dma_start3A_105] : memref<10240x128xf32, #tpu.memory_space<vmem_shared>> -> memref<128x128xf32, #tpu.memory_space<vmem_shared>>
      %dma_start3A_107 = arith.constant 0 : i32
      %dma_start3A_108 = tpu.memref_slice %arg13[%add3A_14, %dma_start3A_107] : memref<10240x128xf32, #tpu.memory_space<vmem_shared>> -> memref<128x128xf32, #tpu.memory_space<vmem_shared>>
      tpu.enqueue_dma source(%arg11 : memref<128x128xf32, #tpu.memory_space<vmem>>) target(%dma_start3A_108 : memref<128x128xf32, #tpu.memory_space<vmem_shared>>) target_semaphore(%run_scoped3A_104 : memref<!tpu.dma_semaphore, #tpu.memory_space<semaphore_mem>>)
      %dma_wait3A_109 = arith.constant 0 : i32
      %dma_wait3A_110 = tpu.memref_slice %arg13[%add3A_14, %dma_wait3A_109] : memref<10240x128xf32, #tpu.memory_space<vmem_shared>> -> memref<128x128xf32, #tpu.memory_space<vmem_shared>>
      %dma_wait3A_111 = arith.constant 0 : i32
      %dma_wait3A_112 = tpu.memref_slice %arg13[%add3A_14, %dma_wait3A_111] : memref<10240x128xf32, #tpu.memory_space<vmem_shared>> -> memref<128x128xf32, #tpu.memory_space<vmem_shared>>
      tpu.wait_dma2 semaphore(%run_scoped3A_104 : memref<!tpu.dma_semaphore, #tpu.memory_space<semaphore_mem>>) src(%arg11 : memref<128x128xf32, #tpu.memory_space<vmem>>) dst(%dma_wait3A_112 : memref<128x128xf32, #tpu.memory_space<vmem_shared>>)
      tpu.yield
    }) : () -> ()
    %mul3A_15 = arith.constant 640 : i32
    %mul3A_16 = arith.muli %arg1, %mul3A_15 : i32
    %add3A_17 = arith.constant 256 : i32
    %add3A_18 = arith.addi %mul3A_16, %add3A_17 : i32
    "tpu.region"() ({
      %run_scoped3A_104 = tpu.sem_alloc : memref<!tpu.dma_semaphore, #tpu.memory_space<semaphore_mem>>
      %dma_start3A_105 = arith.constant 0 : i32
      %dma_start3A_106 = tpu.memref_slice %arg13[%add3A_18, %dma_start3A_105] : memref<10240x128xf32, #tpu.memory_space<vmem_shared>> -> memref<128x128xf32, #tpu.memory_space<vmem_shared>>
      %dma_start3A_107 = arith.constant 0 : i32
      %dma_start3A_108 = tpu.memref_slice %arg13[%add3A_18, %dma_start3A_107] : memref<10240x128xf32, #tpu.memory_space<vmem_shared>> -> memref<128x128xf32, #tpu.memory_space<vmem_shared>>
      tpu.enqueue_dma source(%arg11 : memref<128x128xf32, #tpu.memory_space<vmem>>) target(%dma_start3A_108 : memref<128x128xf32, #tpu.memory_space<vmem_shared>>) target_semaphore(%run_scoped3A_104 : memref<!tpu.dma_semaphore, #tpu.memory_space<semaphore_mem>>)
      %dma_wait3A_109 = arith.constant 0 : i32
      %dma_wait3A_110 = tpu.memref_slice %arg13[%add3A_18, %dma_wait3A_109] : memref<10240x128xf32, #tpu.memory_space<vmem_shared>> -> memref<128x128xf32, #tpu.memory_space<vmem_shared>>
      %dma_wait3A_111 = arith.constant 0 : i32
      %dma_wait3A_112 = tpu.memref_slice %arg13[%add3A_18, %dma_wait3A_111] : memref<10240x128xf32, #tpu.memory_space<vmem_shared>> -> memref<128x128xf32, #tpu.memory_space<vmem_shared>>
      tpu.wait_dma2 semaphore(%run_scoped3A_104 : memref<!tpu.dma_semaphore, #tpu.memory_space<semaphore_mem>>) src(%arg11 : memref<128x128xf32, #tpu.memory_space<vmem>>) dst(%dma_wait3A_112 : memref<128x128xf32, #tpu.memory_space<vmem_shared>>)
      tpu.yield
    }) : () -> ()
    %mul3A_19 = arith.constant 640 : i32
    %mul3A_20 = arith.muli %arg1, %mul3A_19 : i32
    %add3A_21 = arith.constant 384 : i32
    %add3A_22 = arith.addi %mul3A_20, %add3A_21 : i32
    "tpu.region"() ({
      %run_scoped3A_104 = tpu.sem_alloc : memref<!tpu.dma_semaphore, #tpu.memory_space<semaphore_mem>>
      %dma_start3A_105 = arith.constant 0 : i32
      %dma_start3A_106 = tpu.memref_slice %arg13[%add3A_22, %dma_start3A_105] : memref<10240x128xf32, #tpu.memory_space<vmem_shared>> -> memref<128x128xf32, #tpu.memory_space<vmem_shared>>
      %dma_start3A_107 = arith.constant 0 : i32
      %dma_start3A_108 = tpu.memref_slice %arg13[%add3A_22, %dma_start3A_107] : memref<10240x128xf32, #tpu.memory_space<vmem_shared>> -> memref<128x128xf32, #tpu.memory_space<vmem_shared>>
      tpu.enqueue_dma source(%arg11 : memref<128x128xf32, #tpu.memory_space<vmem>>) target(%dma_start3A_108 : memref<128x128xf32, #tpu.memory_space<vmem_shared>>) target_semaphore(%run_scoped3A_104 : memref<!tpu.dma_semaphore, #tpu.memory_space<semaphore_mem>>)
      %dma_wait3A_109 = arith.constant 0 : i32
      %dma_wait3A_110 = tpu.memref_slice %arg13[%add3A_22, %dma_wait3A_109] : memref<10240x128xf32, #tpu.memory_space<vmem_shared>> -> memref<128x128xf32, #tpu.memory_space<vmem_shared>>
      %dma_wait3A_111 = arith.constant 0 : i32
      %dma_wait3A_112 = tpu.memref_slice %arg13[%add3A_22, %dma_wait3A_111] : memref<10240x128xf32, #tpu.memory_space<vmem_shared>> -> memref<128x128xf32, #tpu.memory_space<vmem_shared>>
      tpu.wait_dma2 semaphore(%run_scoped3A_104 : memref<!tpu.dma_semaphore, #tpu.memory_space<semaphore_mem>>) src(%arg11 : memref<128x128xf32, #tpu.memory_space<vmem>>) dst(%dma_wait3A_112 : memref<128x128xf32, #tpu.memory_space<vmem_shared>>)
      tpu.yield
    }) : () -> ()
    %mul3A_23 = arith.constant 640 : i32
    %mul3A_24 = arith.muli %arg1, %mul3A_23 : i32
    %add3A_25 = arith.constant 512 : i32
    %add3A_26 = arith.addi %mul3A_24, %add3A_25 : i32
    "tpu.region"() ({
      %run_scoped3A_104 = tpu.sem_alloc : memref<!tpu.dma_semaphore, #tpu.memory_space<semaphore_mem>>
      %dma_start3A_105 = arith.constant 0 : i32
      %dma_start3A_106 = tpu.memref_slice %arg13[%add3A_26, %dma_start3A_105] : memref<10240x128xf32, #tpu.memory_space<vmem_shared>> -> memref<128x128xf32, #tpu.memory_space<vmem_shared>>
      %dma_start3A_107 = arith.constant 0 : i32
      %dma_start3A_108 = tpu.memref_slice %arg13[%add3A_26, %dma_start3A_107] : memref<10240x128xf32, #tpu.memory_space<vmem_shared>> -> memref<128x128xf32, #tpu.memory_space<vmem_shared>>
      tpu.enqueue_dma source(%arg11 : memref<128x128xf32, #tpu.memory_space<vmem>>) target(%dma_start3A_108 : memref<128x128xf32, #tpu.memory_space<vmem_shared>>) target_semaphore(%run_scoped3A_104 : memref<!tpu.dma_semaphore, #tpu.memory_space<semaphore_mem>>)
      %dma_wait3A_109 = arith.constant 0 : i32
      %dma_wait3A_110 = tpu.memref_slice %arg13[%add3A_26, %dma_wait3A_109] : memref<10240x128xf32, #tpu.memory_space<vmem_shared>> -> memref<128x128xf32, #tpu.memory_space<vmem_shared>>
      %dma_wait3A_111 = arith.constant 0 : i32
      %dma_wait3A_112 = tpu.memref_slice %arg13[%add3A_26, %dma_wait3A_111] : memref<10240x128xf32, #tpu.memory_space<vmem_shared>> -> memref<128x128xf32, #tpu.memory_space<vmem_shared>>
      tpu.wait_dma2 semaphore(%run_scoped3A_104 : memref<!tpu.dma_semaphore, #tpu.memory_space<semaphore_mem>>) src(%arg11 : memref<128x128xf32, #tpu.memory_space<vmem>>) dst(%dma_wait3A_112 : memref<128x128xf32, #tpu.memory_space<vmem_shared>>)
      tpu.yield
    }) : () -> ()
    %barrier3A = arith.constant 0 : index
    tpu.barrier barrier_id(%barrier3A)
    "tpu.region"() ({
      %run_scoped3A_104 = tpu.sem_alloc : memref<!tpu.dma_semaphore, #tpu.memory_space<semaphore_mem>>
      %dma_start3A_105 = arith.constant 0 : i32
      %dma_start3A_106 = arith.constant 0 : i32
      %dma_start3A_107 = tpu.memref_slice %arg2[%add3A, %dma_start3A_105, %dma_start3A_106] : memref<32x80x128xi32, #tpu.memory_space<hbm>> -> memref<1x40x128xi32, #tpu.memory_space<hbm>>
      %dma_start3A_108 = tpu.memref_squeeze %dma_start3A_107 : memref<1x40x128xi32, #tpu.memory_space<hbm>> -> memref<40x128xi32, #tpu.memory_space<hbm>>
      %dma_start3A_109 = arith.constant 0 : i32
      %dma_start3A_110 = arith.constant 0 : i32
      %dma_start3A_111 = tpu.memref_slice %arg2[%add3A, %dma_start3A_109, %dma_start3A_110] : memref<32x80x128xi32, #tpu.memory_space<hbm>> -> memref<1x40x128xi32, #tpu.memory_space<hbm>>
      %dma_start3A_112 = tpu.memref_squeeze %dma_start3A_111 : memref<1x40x128xi32, #tpu.memory_space<hbm>> -> memref<40x128xi32, #tpu.memory_space<hbm>>
      tpu.enqueue_dma source(%dma_start3A_112 : memref<40x128xi32, #tpu.memory_space<hbm>>) target(%arg9 : memref<40x128xi32, #tpu.memory_space<vmem>>) target_semaphore(%run_scoped3A_104 : memref<!tpu.dma_semaphore, #tpu.memory_space<semaphore_mem>>)
      %dma_wait3A_113 = arith.constant 0 : i32
      %dma_wait3A_114 = arith.constant 0 : i32
      %dma_wait3A_115 = tpu.memref_slice %arg2[%add3A, %dma_wait3A_113, %dma_wait3A_114] : memref<32x80x128xi32, #tpu.memory_space<hbm>> -> memref<1x40x128xi32, #tpu.memory_space<hbm>>
      %dma_wait3A_116 = tpu.memref_squeeze %dma_wait3A_115 : memref<1x40x128xi32, #tpu.memory_space<hbm>> -> memref<40x128xi32, #tpu.memory_space<hbm>>
      %dma_wait3A_117 = arith.constant 0 : i32
      %dma_wait3A_118 = arith.constant 0 : i32
      %dma_wait3A_119 = tpu.memref_slice %arg2[%add3A, %dma_wait3A_117, %dma_wait3A_118] : memref<32x80x128xi32, #tpu.memory_space<hbm>> -> memref<1x40x128xi32, #tpu.memory_space<hbm>>
      %dma_wait3A_120 = tpu.memref_squeeze %dma_wait3A_119 : memref<1x40x128xi32, #tpu.memory_space<hbm>> -> memref<40x128xi32, #tpu.memory_space<hbm>>
      tpu.wait_dma2 semaphore(%run_scoped3A_104 : memref<!tpu.dma_semaphore, #tpu.memory_space<semaphore_mem>>) src(%dma_wait3A_120 : memref<40x128xi32, #tpu.memory_space<hbm>>) dst(%arg9 : memref<40x128xi32, #tpu.memory_space<vmem>>)
      tpu.yield
    }) : () -> ()
    "tpu.region"() ({
      %run_scoped3A_104 = tpu.sem_alloc : memref<!tpu.dma_semaphore, #tpu.memory_space<semaphore_mem>>
      %dma_start3A_105 = arith.constant 0 : i32
      %dma_start3A_106 = arith.constant 0 : i32
      %dma_start3A_107 = tpu.memref_slice %arg3[%add3A, %dma_start3A_105, %dma_start3A_106] : memref<32x80x128xi32, #tpu.memory_space<hbm>> -> memref<1x40x128xi32, #tpu.memory_space<hbm>>
      %dma_start3A_108 = tpu.memref_squeeze %dma_start3A_107 : memref<1x40x128xi32, #tpu.memory_space<hbm>> -> memref<40x128xi32, #tpu.memory_space<hbm>>
      %dma_start3A_109 = arith.constant 0 : i32
      %dma_start3A_110 = arith.constant 0 : i32
      %dma_start3A_111 = tpu.memref_slice %arg3[%add3A, %dma_start3A_109, %dma_start3A_110] : memref<32x80x128xi32, #tpu.memory_space<hbm>> -> memref<1x40x128xi32, #tpu.memory_space<hbm>>
      %dma_start3A_112 = tpu.memref_squeeze %dma_start3A_111 : memref<1x40x128xi32, #tpu.memory_space<hbm>> -> memref<40x128xi32, #tpu.memory_space<hbm>>
      tpu.enqueue_dma source(%dma_start3A_112 : memref<40x128xi32, #tpu.memory_space<hbm>>) target(%arg10 : memref<40x128xi32, #tpu.memory_space<vmem>>) target_semaphore(%run_scoped3A_104 : memref<!tpu.dma_semaphore, #tpu.memory_space<semaphore_mem>>)
      %dma_wait3A_113 = arith.constant 0 : i32
      %dma_wait3A_114 = arith.constant 0 : i32
      %dma_wait3A_115 = tpu.memref_slice %arg3[%add3A, %dma_wait3A_113, %dma_wait3A_114] : memref<32x80x128xi32, #tpu.memory_space<hbm>> -> memref<1x40x128xi32, #tpu.memory_space<hbm>>
      %dma_wait3A_116 = tpu.memref_squeeze %dma_wait3A_115 : memref<1x40x128xi32, #tpu.memory_space<hbm>> -> memref<40x128xi32, #tpu.memory_space<hbm>>
      %dma_wait3A_117 = arith.constant 0 : i32
      %dma_wait3A_118 = arith.constant 0 : i32
      %dma_wait3A_119 = tpu.memref_slice %arg3[%add3A, %dma_wait3A_117, %dma_wait3A_118] : memref<32x80x128xi32, #tpu.memory_space<hbm>> -> memref<1x40x128xi32, #tpu.memory_space<hbm>>
      %dma_wait3A_120 = tpu.memref_squeeze %dma_wait3A_119 : memref<1x40x128xi32, #tpu.memory_space<hbm>> -> memref<40x128xi32, #tpu.memory_space<hbm>>
      tpu.wait_dma2 semaphore(%run_scoped3A_104 : memref<!tpu.dma_semaphore, #tpu.memory_space<semaphore_mem>>) src(%dma_wait3A_120 : memref<40x128xi32, #tpu.memory_space<hbm>>) dst(%arg10 : memref<40x128xi32, #tpu.memory_space<vmem>>)
      tpu.yield
    }) : () -> ()
    %dma_start3A = arith.constant 0 : i32
    %dma_start3A_27 = arith.constant 0 : i32
    %dma_start3A_28 = tpu.memref_slice %arg9[%dma_start3A, %dma_start3A_27] : memref<40x128xi32, #tpu.memory_space<vmem>> -> memref<1x128xi32, #tpu.memory_space<vmem>>
    %dma_start3A_29 = tpu.memref_squeeze %dma_start3A_28 : memref<1x128xi32, #tpu.memory_space<vmem>> -> memref<128xi32, #tpu.memory_space<vmem>>
    %dma_start3A_30 = arith.constant 0 : i32
    %dma_start3A_31 = arith.constant 0 : i32
    %dma_start3A_32 = tpu.memref_slice %arg4[%dma_start3A_30, %dma_start3A_31] : memref<270000x128xf32, #tpu.memory_space<hbm>> -> memref<270000x128xf32, #tpu.memory_space<hbm>>
    tpu.enqueue_indirect_dma source(%dma_start3A_32 : memref<270000x128xf32, #tpu.memory_space<hbm>>) target(%arg11 : memref<128x128xf32, #tpu.memory_space<vmem>>) offsets(%dma_start3A_29 : memref<128xi32, #tpu.memory_space<vmem>>) semaphore(%arg14 : memref<!tpu.dma_semaphore, #tpu.memory_space<semaphore_mem>>)
    %dma_start3A_33 = arith.constant 1 : i32
    %dma_start3A_34 = arith.constant 0 : i32
    %dma_start3A_35 = tpu.memref_slice %arg9[%dma_start3A_33, %dma_start3A_34] : memref<40x128xi32, #tpu.memory_space<vmem>> -> memref<1x128xi32, #tpu.memory_space<vmem>>
    %dma_start3A_36 = tpu.memref_squeeze %dma_start3A_35 : memref<1x128xi32, #tpu.memory_space<vmem>> -> memref<128xi32, #tpu.memory_space<vmem>>
    %dma_start3A_37 = arith.constant 0 : i32
    %dma_start3A_38 = arith.constant 0 : i32
    %dma_start3A_39 = tpu.memref_slice %arg4[%dma_start3A_37, %dma_start3A_38] : memref<270000x128xf32, #tpu.memory_space<hbm>> -> memref<270000x128xf32, #tpu.memory_space<hbm>>
    tpu.enqueue_indirect_dma source(%dma_start3A_39 : memref<270000x128xf32, #tpu.memory_space<hbm>>) target(%arg12 : memref<128x128xf32, #tpu.memory_space<vmem>>) offsets(%dma_start3A_36 : memref<128xi32, #tpu.memory_space<vmem>>) semaphore(%arg15 : memref<!tpu.dma_semaphore, #tpu.memory_space<semaphore_mem>>)
    %scan3A_40 = arith.constant 0 : i32
    %scan3A_41 = arith.constant 0 : i32
    %scan3A_42 = arith.constant 19 : i32
    %scan3A_43 = arith.addi %scan3A_41, %scan3A_42 : i32
    %scan3A_44 = arith.constant 1 : i32
    scf.for %scan3A_104 = %scan3A_41 to %scan3A_43 step %scan3A_44  : i32 {
      %mul3A_105 = arith.constant 2 : i32
      %mul3A_106 = arith.muli %scan3A_104, %mul3A_105 : i32
      %add3A_107 = arith.constant 0 : i32
      %add3A_108 = arith.addi %mul3A_106, %add3A_107 : i32
      %dma_wait3A_109 = arith.constant 0 : i32
      %dma_wait3A_110 = arith.constant 0 : i32
      %dma_wait3A_111 = tpu.memref_slice %arg9[%dma_wait3A_109, %dma_wait3A_110] : memref<40x128xi32, #tpu.memory_space<vmem>> -> memref<1x128xi32, #tpu.memory_space<vmem>>
      %dma_wait3A_112 = tpu.memref_squeeze %dma_wait3A_111 : memref<1x128xi32, #tpu.memory_space<vmem>> -> memref<128xi32, #tpu.memory_space<vmem>>
      %dma_wait3A_113 = arith.constant 0 : i32
      %dma_wait3A_114 = arith.constant 0 : i32
      %dma_wait3A_115 = tpu.memref_slice %arg4[%dma_wait3A_113, %dma_wait3A_114] : memref<270000x128xf32, #tpu.memory_space<hbm>> -> memref<270000x128xf32, #tpu.memory_space<hbm>>
      tpu.wait_indirect_dma semaphore(%arg14 : memref<!tpu.dma_semaphore, #tpu.memory_space<semaphore_mem>>) src(%dma_wait3A_115 : memref<270000x128xf32, #tpu.memory_space<hbm>>) dst(%arg11 : memref<128x128xf32, #tpu.memory_space<vmem>>)
      "tpu.region"() ({
        %run_scoped3A_141 = tpu.sem_alloc : memref<!tpu.dma_semaphore, #tpu.memory_space<semaphore_mem>>
        %dma_start3A_142 = arith.constant 0 : i32
        %dma_start3A_143 = tpu.memref_slice %arg10[%add3A_108, %dma_start3A_142] : memref<40x128xi32, #tpu.memory_space<vmem>> -> memref<1x128xi32, #tpu.memory_space<vmem>>
        %dma_start3A_144 = tpu.memref_squeeze %dma_start3A_143 : memref<1x128xi32, #tpu.memory_space<vmem>> -> memref<128xi32, #tpu.memory_space<vmem>>
        %dma_start3A_145 = arith.constant 0 : i32
        %dma_start3A_146 = arith.constant 0 : i32
        %dma_start3A_147 = tpu.memref_slice %arg13[%dma_start3A_145, %dma_start3A_146] : memref<10240x128xf32, #tpu.memory_space<vmem_shared>> -> memref<10240x128xf32, #tpu.memory_space<vmem_shared>>
        tpu.enqueue_indirect_dma source(%arg11 : memref<128x128xf32, #tpu.memory_space<vmem>>) target(%dma_start3A_147 : memref<10240x128xf32, #tpu.memory_space<vmem_shared>>) offsets(%dma_start3A_144 : memref<128xi32, #tpu.memory_space<vmem>>) semaphore(%run_scoped3A_141 : memref<!tpu.dma_semaphore, #tpu.memory_space<semaphore_mem>>) {add = true}
        %dma_wait3A_148 = arith.constant 0 : i32
        %dma_wait3A_149 = tpu.memref_slice %arg10[%add3A_108, %dma_wait3A_148] : memref<40x128xi32, #tpu.memory_space<vmem>> -> memref<1x128xi32, #tpu.memory_space<vmem>>
        %dma_wait3A_150 = tpu.memref_squeeze %dma_wait3A_149 : memref<1x128xi32, #tpu.memory_space<vmem>> -> memref<128xi32, #tpu.memory_space<vmem>>
        %dma_wait3A_151 = arith.constant 0 : i32
        %dma_wait3A_152 = arith.constant 0 : i32
        %dma_wait3A_153 = tpu.memref_slice %arg13[%dma_wait3A_151, %dma_wait3A_152] : memref<10240x128xf32, #tpu.memory_space<vmem_shared>> -> memref<10240x128xf32, #tpu.memory_space<vmem_shared>>
        tpu.wait_indirect_dma semaphore(%run_scoped3A_141 : memref<!tpu.dma_semaphore, #tpu.memory_space<semaphore_mem>>) src(%arg11 : memref<128x128xf32, #tpu.memory_space<vmem>>) dst(%dma_wait3A_153 : memref<10240x128xf32, #tpu.memory_space<vmem_shared>>)
        tpu.yield
      }) : () -> ()
      %add3A_116 = arith.constant 2 : i32
      %add3A_117 = arith.addi %add3A_108, %add3A_116 : i32
      %dma_start3A_118 = arith.constant 0 : i32
      %dma_start3A_119 = tpu.memref_slice %arg9[%add3A_117, %dma_start3A_118] : memref<40x128xi32, #tpu.memory_space<vmem>> -> memref<1x128xi32, #tpu.memory_space<vmem>>
      %dma_start3A_120 = tpu.memref_squeeze %dma_start3A_119 : memref<1x128xi32, #tpu.memory_space<vmem>> -> memref<128xi32, #tpu.memory_space<vmem>>
      %dma_start3A_121 = arith.constant 0 : i32
      %dma_start3A_122 = arith.constant 0 : i32
      %dma_start3A_123 = tpu.memref_slice %arg4[%dma_start3A_121, %dma_start3A_122] : memref<270000x128xf32, #tpu.memory_space<hbm>> -> memref<270000x128xf32, #tpu.memory_space<hbm>>
      tpu.enqueue_indirect_dma source(%dma_start3A_123 : memref<270000x128xf32, #tpu.memory_space<hbm>>) target(%arg11 : memref<128x128xf32, #tpu.memory_space<vmem>>) offsets(%dma_start3A_120 : memref<128xi32, #tpu.memory_space<vmem>>) semaphore(%arg14 : memref<!tpu.dma_semaphore, #tpu.memory_space<semaphore_mem>>)
      %add3A_124 = arith.constant 1 : i32
      %add3A_125 = arith.addi %mul3A_106, %add3A_124 : i32
      %dma_wait3A_126 = arith.constant 0 : i32
      %dma_wait3A_127 = arith.constant 0 : i32
      %dma_wait3A_128 = tpu.memref_slice %arg9[%dma_wait3A_126, %dma_wait3A_127] : memref<40x128xi32, #tpu.memory_space<vmem>> -> memref<1x128xi32, #tpu.memory_space<vmem>>
      %dma_wait3A_129 = tpu.memref_squeeze %dma_wait3A_128 : memref<1x128xi32, #tpu.memory_space<vmem>> -> memref<128xi32, #tpu.memory_space<vmem>>
      %dma_wait3A_130 = arith.constant 0 : i32
      %dma_wait3A_131 = arith.constant 0 : i32
      %dma_wait3A_132 = tpu.memref_slice %arg4[%dma_wait3A_130, %dma_wait3A_131] : memref<270000x128xf32, #tpu.memory_space<hbm>> -> memref<270000x128xf32, #tpu.memory_space<hbm>>
      tpu.wait_indirect_dma semaphore(%arg15 : memref<!tpu.dma_semaphore, #tpu.memory_space<semaphore_mem>>) src(%dma_wait3A_132 : memref<270000x128xf32, #tpu.memory_space<hbm>>) dst(%arg12 : memref<128x128xf32, #tpu.memory_space<vmem>>)
      "tpu.region"() ({
        %run_scoped3A_141 = tpu.sem_alloc : memref<!tpu.dma_semaphore, #tpu.memory_space<semaphore_mem>>
        %dma_start3A_142 = arith.constant 0 : i32
        %dma_start3A_143 = tpu.memref_slice %arg10[%add3A_125, %dma_start3A_142] : memref<40x128xi32, #tpu.memory_space<vmem>> -> memref<1x128xi32, #tpu.memory_space<vmem>>
        %dma_start3A_144 = tpu.memref_squeeze %dma_start3A_143 : memref<1x128xi32, #tpu.memory_space<vmem>> -> memref<128xi32, #tpu.memory_space<vmem>>
        %dma_start3A_145 = arith.constant 0 : i32
        %dma_start3A_146 = arith.constant 0 : i32
        %dma_start3A_147 = tpu.memref_slice %arg13[%dma_start3A_145, %dma_start3A_146] : memref<10240x128xf32, #tpu.memory_space<vmem_shared>> -> memref<10240x128xf32, #tpu.memory_space<vmem_shared>>
        tpu.enqueue_indirect_dma source(%arg12 : memref<128x128xf32, #tpu.memory_space<vmem>>) target(%dma_start3A_147 : memref<10240x128xf32, #tpu.memory_space<vmem_shared>>) offsets(%dma_start3A_144 : memref<128xi32, #tpu.memory_space<vmem>>) semaphore(%run_scoped3A_141 : memref<!tpu.dma_semaphore, #tpu.memory_space<semaphore_mem>>) {add = true}
        %dma_wait3A_148 = arith.constant 0 : i32
        %dma_wait3A_149 = tpu.memref_slice %arg10[%add3A_125, %dma_wait3A_148] : memref<40x128xi32, #tpu.memory_space<vmem>> -> memref<1x128xi32, #tpu.memory_space<vmem>>
        %dma_wait3A_150 = tpu.memref_squeeze %dma_wait3A_149 : memref<1x128xi32, #tpu.memory_space<vmem>> -> memref<128xi32, #tpu.memory_space<vmem>>
        %dma_wait3A_151 = arith.constant 0 : i32
        %dma_wait3A_152 = arith.constant 0 : i32
        %dma_wait3A_153 = tpu.memref_slice %arg13[%dma_wait3A_151, %dma_wait3A_152] : memref<10240x128xf32, #tpu.memory_space<vmem_shared>> -> memref<10240x128xf32, #tpu.memory_space<vmem_shared>>
        tpu.wait_indirect_dma semaphore(%run_scoped3A_141 : memref<!tpu.dma_semaphore, #tpu.memory_space<semaphore_mem>>) src(%arg12 : memref<128x128xf32, #tpu.memory_space<vmem>>) dst(%dma_wait3A_153 : memref<10240x128xf32, #tpu.memory_space<vmem_shared>>)
        tpu.yield
      }) : () -> ()
      %add3A_133 = arith.constant 2 : i32
      %add3A_134 = arith.addi %add3A_125, %add3A_133 : i32
      %dma_start3A_135 = arith.constant 0 : i32
      %dma_start3A_136 = tpu.memref_slice %arg9[%add3A_134, %dma_start3A_135] : memref<40x128xi32, #tpu.memory_space<vmem>> -> memref<1x128xi32, #tpu.memory_space<vmem>>
      %dma_start3A_137 = tpu.memref_squeeze %dma_start3A_136 : memref<1x128xi32, #tpu.memory_space<vmem>> -> memref<128xi32, #tpu.memory_space<vmem>>
      %dma_start3A_138 = arith.constant 0 : i32
      %dma_start3A_139 = arith.constant 0 : i32
      %dma_start3A_140 = tpu.memref_slice %arg4[%dma_start3A_138, %dma_start3A_139] : memref<270000x128xf32, #tpu.memory_space<hbm>> -> memref<270000x128xf32, #tpu.memory_space<hbm>>
      tpu.enqueue_indirect_dma source(%dma_start3A_140 : memref<270000x128xf32, #tpu.memory_space<hbm>>) target(%arg12 : memref<128x128xf32, #tpu.memory_space<vmem>>) offsets(%dma_start3A_137 : memref<128xi32, #tpu.memory_space<vmem>>) semaphore(%arg15 : memref<!tpu.dma_semaphore, #tpu.memory_space<semaphore_mem>>)
    }
    %scan3A_45 = arith.constant 19 : i32
    %dma_wait3A = arith.constant 0 : i32
    %dma_wait3A_46 = arith.constant 0 : i32
    %dma_wait3A_47 = tpu.memref_slice %arg9[%dma_wait3A, %dma_wait3A_46] : memref<40x128xi32, #tpu.memory_space<vmem>> -> memref<1x128xi32, #tpu.memory_space<vmem>>
    %dma_wait3A_48 = tpu.memref_squeeze %dma_wait3A_47 : memref<1x128xi32, #tpu.memory_space<vmem>> -> memref<128xi32, #tpu.memory_space<vmem>>
    %dma_wait3A_49 = arith.constant 0 : i32
    %dma_wait3A_50 = arith.constant 0 : i32
    %dma_wait3A_51 = tpu.memref_slice %arg4[%dma_wait3A_49, %dma_wait3A_50] : memref<270000x128xf32, #tpu.memory_space<hbm>> -> memref<270000x128xf32, #tpu.memory_space<hbm>>
    tpu.wait_indirect_dma semaphore(%arg14 : memref<!tpu.dma_semaphore, #tpu.memory_space<semaphore_mem>>) src(%dma_wait3A_51 : memref<270000x128xf32, #tpu.memory_space<hbm>>) dst(%arg11 : memref<128x128xf32, #tpu.memory_space<vmem>>)
    %run_scoped3A = arith.constant 38 : i32
    "tpu.region"() ({
      %run_scoped3A_104 = tpu.sem_alloc : memref<!tpu.dma_semaphore, #tpu.memory_space<semaphore_mem>>
      %dma_start3A_105 = arith.constant 0 : i32
      %dma_start3A_106 = tpu.memref_slice %arg10[%run_scoped3A, %dma_start3A_105] : memref<40x128xi32, #tpu.memory_space<vmem>> -> memref<1x128xi32, #tpu.memory_space<vmem>>
      %dma_start3A_107 = tpu.memref_squeeze %dma_start3A_106 : memref<1x128xi32, #tpu.memory_space<vmem>> -> memref<128xi32, #tpu.memory_space<vmem>>
      %dma_start3A_108 = arith.constant 0 : i32
      %dma_start3A_109 = arith.constant 0 : i32
      %dma_start3A_110 = tpu.memref_slice %arg13[%dma_start3A_108, %dma_start3A_109] : memref<10240x128xf32, #tpu.memory_space<vmem_shared>> -> memref<10240x128xf32, #tpu.memory_space<vmem_shared>>
      tpu.enqueue_indirect_dma source(%arg11 : memref<128x128xf32, #tpu.memory_space<vmem>>) target(%dma_start3A_110 : memref<10240x128xf32, #tpu.memory_space<vmem_shared>>) offsets(%dma_start3A_107 : memref<128xi32, #tpu.memory_space<vmem>>) semaphore(%run_scoped3A_104 : memref<!tpu.dma_semaphore, #tpu.memory_space<semaphore_mem>>) {add = true}
      %dma_wait3A_111 = arith.constant 0 : i32
      %dma_wait3A_112 = tpu.memref_slice %arg10[%run_scoped3A, %dma_wait3A_111] : memref<40x128xi32, #tpu.memory_space<vmem>> -> memref<1x128xi32, #tpu.memory_space<vmem>>
      %dma_wait3A_113 = tpu.memref_squeeze %dma_wait3A_112 : memref<1x128xi32, #tpu.memory_space<vmem>> -> memref<128xi32, #tpu.memory_space<vmem>>
      %dma_wait3A_114 = arith.constant 0 : i32
      %dma_wait3A_115 = arith.constant 0 : i32
      %dma_wait3A_116 = tpu.memref_slice %arg13[%dma_wait3A_114, %dma_wait3A_115] : memref<10240x128xf32, #tpu.memory_space<vmem_shared>> -> memref<10240x128xf32, #tpu.memory_space<vmem_shared>>
      tpu.wait_indirect_dma semaphore(%run_scoped3A_104 : memref<!tpu.dma_semaphore, #tpu.memory_space<semaphore_mem>>) src(%arg11 : memref<128x128xf32, #tpu.memory_space<vmem>>) dst(%dma_wait3A_116 : memref<10240x128xf32, #tpu.memory_space<vmem_shared>>)
      tpu.yield
    }) : () -> ()
    %dma_wait3A_52 = arith.constant 0 : i32
    %dma_wait3A_53 = arith.constant 0 : i32
    %dma_wait3A_54 = tpu.memref_slice %arg9[%dma_wait3A_52, %dma_wait3A_53] : memref<40x128xi32, #tpu.memory_space<vmem>> -> memref<1x128xi32, #tpu.memory_space<vmem>>
    %dma_wait3A_55 = tpu.memref_squeeze %dma_wait3A_54 : memref<1x128xi32, #tpu.memory_space<vmem>> -> memref<128xi32, #tpu.memory_space<vmem>>
    %dma_wait3A_56 = arith.constant 0 : i32
    %dma_wait3A_57 = arith.constant 0 : i32
    %dma_wait3A_58 = tpu.memref_slice %arg4[%dma_wait3A_56, %dma_wait3A_57] : memref<270000x128xf32, #tpu.memory_space<hbm>> -> memref<270000x128xf32, #tpu.memory_space<hbm>>
    tpu.wait_indirect_dma semaphore(%arg15 : memref<!tpu.dma_semaphore, #tpu.memory_space<semaphore_mem>>) src(%dma_wait3A_58 : memref<270000x128xf32, #tpu.memory_space<hbm>>) dst(%arg12 : memref<128x128xf32, #tpu.memory_space<vmem>>)
    %run_scoped3A_59 = arith.constant 39 : i32
    "tpu.region"() ({
      %run_scoped3A_104 = tpu.sem_alloc : memref<!tpu.dma_semaphore, #tpu.memory_space<semaphore_mem>>
      %dma_start3A_105 = arith.constant 0 : i32
      %dma_start3A_106 = tpu.memref_slice %arg10[%run_scoped3A_59, %dma_start3A_105] : memref<40x128xi32, #tpu.memory_space<vmem>> -> memref<1x128xi32, #tpu.memory_space<vmem>>
      %dma_start3A_107 = tpu.memref_squeeze %dma_start3A_106 : memref<1x128xi32, #tpu.memory_space<vmem>> -> memref<128xi32, #tpu.memory_space<vmem>>
      %dma_start3A_108 = arith.constant 0 : i32
      %dma_start3A_109 = arith.constant 0 : i32
      %dma_start3A_110 = tpu.memref_slice %arg13[%dma_start3A_108, %dma_start3A_109] : memref<10240x128xf32, #tpu.memory_space<vmem_shared>> -> memref<10240x128xf32, #tpu.memory_space<vmem_shared>>
      tpu.enqueue_indirect_dma source(%arg12 : memref<128x128xf32, #tpu.memory_space<vmem>>) target(%dma_start3A_110 : memref<10240x128xf32, #tpu.memory_space<vmem_shared>>) offsets(%dma_start3A_107 : memref<128xi32, #tpu.memory_space<vmem>>) semaphore(%run_scoped3A_104 : memref<!tpu.dma_semaphore, #tpu.memory_space<semaphore_mem>>) {add = true}
      %dma_wait3A_111 = arith.constant 0 : i32
      %dma_wait3A_112 = tpu.memref_slice %arg10[%run_scoped3A_59, %dma_wait3A_111] : memref<40x128xi32, #tpu.memory_space<vmem>> -> memref<1x128xi32, #tpu.memory_space<vmem>>
      %dma_wait3A_113 = tpu.memref_squeeze %dma_wait3A_112 : memref<1x128xi32, #tpu.memory_space<vmem>> -> memref<128xi32, #tpu.memory_space<vmem>>
      %dma_wait3A_114 = arith.constant 0 : i32
      %dma_wait3A_115 = arith.constant 0 : i32
      %dma_wait3A_116 = tpu.memref_slice %arg13[%dma_wait3A_114, %dma_wait3A_115] : memref<10240x128xf32, #tpu.memory_space<vmem_shared>> -> memref<10240x128xf32, #tpu.memory_space<vmem_shared>>
      tpu.wait_indirect_dma semaphore(%run_scoped3A_104 : memref<!tpu.dma_semaphore, #tpu.memory_space<semaphore_mem>>) src(%arg12 : memref<128x128xf32, #tpu.memory_space<vmem>>) dst(%dma_wait3A_116 : memref<10240x128xf32, #tpu.memory_space<vmem_shared>>)
      tpu.yield
    }) : () -> ()
    "tpu.region"() ({
      %run_scoped3A_104 = tpu.sem_alloc : memref<!tpu.dma_semaphore, #tpu.memory_space<semaphore_mem>>
      %dma_start3A_105 = arith.constant 40 : i32
      %dma_start3A_106 = arith.constant 0 : i32
      %dma_start3A_107 = tpu.memref_slice %arg2[%add3A, %dma_start3A_105, %dma_start3A_106] : memref<32x80x128xi32, #tpu.memory_space<hbm>> -> memref<1x40x128xi32, #tpu.memory_space<hbm>>
      %dma_start3A_108 = tpu.memref_squeeze %dma_start3A_107 : memref<1x40x128xi32, #tpu.memory_space<hbm>> -> memref<40x128xi32, #tpu.memory_space<hbm>>
      %dma_start3A_109 = arith.constant 40 : i32
      %dma_start3A_110 = arith.constant 0 : i32
      %dma_start3A_111 = tpu.memref_slice %arg2[%add3A, %dma_start3A_109, %dma_start3A_110] : memref<32x80x128xi32, #tpu.memory_space<hbm>> -> memref<1x40x128xi32, #tpu.memory_space<hbm>>
      %dma_start3A_112 = tpu.memref_squeeze %dma_start3A_111 : memref<1x40x128xi32, #tpu.memory_space<hbm>> -> memref<40x128xi32, #tpu.memory_space<hbm>>
      tpu.enqueue_dma source(%dma_start3A_112 : memref<40x128xi32, #tpu.memory_space<hbm>>) target(%arg9 : memref<40x128xi32, #tpu.memory_space<vmem>>) target_semaphore(%run_scoped3A_104 : memref<!tpu.dma_semaphore, #tpu.memory_space<semaphore_mem>>)
      %dma_wait3A_113 = arith.constant 40 : i32
      %dma_wait3A_114 = arith.constant 0 : i32
      %dma_wait3A_115 = tpu.memref_slice %arg2[%add3A, %dma_wait3A_113, %dma_wait3A_114] : memref<32x80x128xi32, #tpu.memory_space<hbm>> -> memref<1x40x128xi32, #tpu.memory_space<hbm>>
      %dma_wait3A_116 = tpu.memref_squeeze %dma_wait3A_115 : memref<1x40x128xi32, #tpu.memory_space<hbm>> -> memref<40x128xi32, #tpu.memory_space<hbm>>
      %dma_wait3A_117 = arith.constant 40 : i32
      %dma_wait3A_118 = arith.constant 0 : i32
      %dma_wait3A_119 = tpu.memref_slice %arg2[%add3A, %dma_wait3A_117, %dma_wait3A_118] : memref<32x80x128xi32, #tpu.memory_space<hbm>> -> memref<1x40x128xi32, #tpu.memory_space<hbm>>
      %dma_wait3A_120 = tpu.memref_squeeze %dma_wait3A_119 : memref<1x40x128xi32, #tpu.memory_space<hbm>> -> memref<40x128xi32, #tpu.memory_space<hbm>>
      tpu.wait_dma2 semaphore(%run_scoped3A_104 : memref<!tpu.dma_semaphore, #tpu.memory_space<semaphore_mem>>) src(%dma_wait3A_120 : memref<40x128xi32, #tpu.memory_space<hbm>>) dst(%arg9 : memref<40x128xi32, #tpu.memory_space<vmem>>)
      tpu.yield
    }) : () -> ()
    "tpu.region"() ({
      %run_scoped3A_104 = tpu.sem_alloc : memref<!tpu.dma_semaphore, #tpu.memory_space<semaphore_mem>>
      %dma_start3A_105 = arith.constant 40 : i32
      %dma_start3A_106 = arith.constant 0 : i32
      %dma_start3A_107 = tpu.memref_slice %arg3[%add3A, %dma_start3A_105, %dma_start3A_106] : memref<32x80x128xi32, #tpu.memory_space<hbm>> -> memref<1x40x128xi32, #tpu.memory_space<hbm>>
      %dma_start3A_108 = tpu.memref_squeeze %dma_start3A_107 : memref<1x40x128xi32, #tpu.memory_space<hbm>> -> memref<40x128xi32, #tpu.memory_space<hbm>>
      %dma_start3A_109 = arith.constant 40 : i32
      %dma_start3A_110 = arith.constant 0 : i32
      %dma_start3A_111 = tpu.memref_slice %arg3[%add3A, %dma_start3A_109, %dma_start3A_110] : memref<32x80x128xi32, #tpu.memory_space<hbm>> -> memref<1x40x128xi32, #tpu.memory_space<hbm>>
      %dma_start3A_112 = tpu.memref_squeeze %dma_start3A_111 : memref<1x40x128xi32, #tpu.memory_space<hbm>> -> memref<40x128xi32, #tpu.memory_space<hbm>>
      tpu.enqueue_dma source(%dma_start3A_112 : memref<40x128xi32, #tpu.memory_space<hbm>>) target(%arg10 : memref<40x128xi32, #tpu.memory_space<vmem>>) target_semaphore(%run_scoped3A_104 : memref<!tpu.dma_semaphore, #tpu.memory_space<semaphore_mem>>)
      %dma_wait3A_113 = arith.constant 40 : i32
      %dma_wait3A_114 = arith.constant 0 : i32
      %dma_wait3A_115 = tpu.memref_slice %arg3[%add3A, %dma_wait3A_113, %dma_wait3A_114] : memref<32x80x128xi32, #tpu.memory_space<hbm>> -> memref<1x40x128xi32, #tpu.memory_space<hbm>>
      %dma_wait3A_116 = tpu.memref_squeeze %dma_wait3A_115 : memref<1x40x128xi32, #tpu.memory_space<hbm>> -> memref<40x128xi32, #tpu.memory_space<hbm>>
      %dma_wait3A_117 = arith.constant 40 : i32
      %dma_wait3A_118 = arith.constant 0 : i32
      %dma_wait3A_119 = tpu.memref_slice %arg3[%add3A, %dma_wait3A_117, %dma_wait3A_118] : memref<32x80x128xi32, #tpu.memory_space<hbm>> -> memref<1x40x128xi32, #tpu.memory_space<hbm>>
      %dma_wait3A_120 = tpu.memref_squeeze %dma_wait3A_119 : memref<1x40x128xi32, #tpu.memory_space<hbm>> -> memref<40x128xi32, #tpu.memory_space<hbm>>
      tpu.wait_dma2 semaphore(%run_scoped3A_104 : memref<!tpu.dma_semaphore, #tpu.memory_space<semaphore_mem>>) src(%dma_wait3A_120 : memref<40x128xi32, #tpu.memory_space<hbm>>) dst(%arg10 : memref<40x128xi32, #tpu.memory_space<vmem>>)
      tpu.yield
    }) : () -> ()
    %dma_start3A_60 = arith.constant 0 : i32
    %dma_start3A_61 = arith.constant 0 : i32
    %dma_start3A_62 = tpu.memref_slice %arg9[%dma_start3A_60, %dma_start3A_61] : memref<40x128xi32, #tpu.memory_space<vmem>> -> memref<1x128xi32, #tpu.memory_space<vmem>>
    %dma_start3A_63 = tpu.memref_squeeze %dma_start3A_62 : memref<1x128xi32, #tpu.memory_space<vmem>> -> memref<128xi32, #tpu.memory_space<vmem>>
    %dma_start3A_64 = arith.constant 0 : i32
    %dma_start3A_65 = arith.constant 0 : i32
    %dma_start3A_66 = tpu.memref_slice %arg4[%dma_start3A_64, %dma_start3A_65] : memref<270000x128xf32, #tpu.memory_space<hbm>> -> memref<270000x128xf32, #tpu.memory_space<hbm>>
    tpu.enqueue_indirect_dma source(%dma_start3A_66 : memref<270000x128xf32, #tpu.memory_space<hbm>>) target(%arg11 : memref<128x128xf32, #tpu.memory_space<vmem>>) offsets(%dma_start3A_63 : memref<128xi32, #tpu.memory_space<vmem>>) semaphore(%arg14 : memref<!tpu.dma_semaphore, #tpu.memory_space<semaphore_mem>>)
    %dma_start3A_67 = arith.constant 1 : i32
    %dma_start3A_68 = arith.constant 0 : i32
    %dma_start3A_69 = tpu.memref_slice %arg9[%dma_start3A_67, %dma_start3A_68] : memref<40x128xi32, #tpu.memory_space<vmem>> -> memref<1x128xi32, #tpu.memory_space<vmem>>
    %dma_start3A_70 = tpu.memref_squeeze %dma_start3A_69 : memref<1x128xi32, #tpu.memory_space<vmem>> -> memref<128xi32, #tpu.memory_space<vmem>>
    %dma_start3A_71 = arith.constant 0 : i32
    %dma_start3A_72 = arith.constant 0 : i32
    %dma_start3A_73 = tpu.memref_slice %arg4[%dma_start3A_71, %dma_start3A_72] : memref<270000x128xf32, #tpu.memory_space<hbm>> -> memref<270000x128xf32, #tpu.memory_space<hbm>>
    tpu.enqueue_indirect_dma source(%dma_start3A_73 : memref<270000x128xf32, #tpu.memory_space<hbm>>) target(%arg12 : memref<128x128xf32, #tpu.memory_space<vmem>>) offsets(%dma_start3A_70 : memref<128xi32, #tpu.memory_space<vmem>>) semaphore(%arg15 : memref<!tpu.dma_semaphore, #tpu.memory_space<semaphore_mem>>)
    %scan3A_74 = arith.constant 0 : i32
    %scan3A_75 = arith.constant 0 : i32
    %scan3A_76 = arith.constant 19 : i32
    %scan3A_77 = arith.addi %scan3A_75, %scan3A_76 : i32
    %scan3A_78 = arith.constant 1 : i32
    scf.for %scan3A_104 = %scan3A_75 to %scan3A_77 step %scan3A_78  : i32 {
      %mul3A_105 = arith.constant 2 : i32
      %mul3A_106 = arith.muli %scan3A_104, %mul3A_105 : i32
      %add3A_107 = arith.constant 0 : i32
      %add3A_108 = arith.addi %mul3A_106, %add3A_107 : i32
      %dma_wait3A_109 = arith.constant 0 : i32
      %dma_wait3A_110 = arith.constant 0 : i32
      %dma_wait3A_111 = tpu.memref_slice %arg9[%dma_wait3A_109, %dma_wait3A_110] : memref<40x128xi32, #tpu.memory_space<vmem>> -> memref<1x128xi32, #tpu.memory_space<vmem>>
      %dma_wait3A_112 = tpu.memref_squeeze %dma_wait3A_111 : memref<1x128xi32, #tpu.memory_space<vmem>> -> memref<128xi32, #tpu.memory_space<vmem>>
      %dma_wait3A_113 = arith.constant 0 : i32
      %dma_wait3A_114 = arith.constant 0 : i32
      %dma_wait3A_115 = tpu.memref_slice %arg4[%dma_wait3A_113, %dma_wait3A_114] : memref<270000x128xf32, #tpu.memory_space<hbm>> -> memref<270000x128xf32, #tpu.memory_space<hbm>>
      tpu.wait_indirect_dma semaphore(%arg14 : memref<!tpu.dma_semaphore, #tpu.memory_space<semaphore_mem>>) src(%dma_wait3A_115 : memref<270000x128xf32, #tpu.memory_space<hbm>>) dst(%arg11 : memref<128x128xf32, #tpu.memory_space<vmem>>)
      "tpu.region"() ({
        %run_scoped3A_141 = tpu.sem_alloc : memref<!tpu.dma_semaphore, #tpu.memory_space<semaphore_mem>>
        %dma_start3A_142 = arith.constant 0 : i32
        %dma_start3A_143 = tpu.memref_slice %arg10[%add3A_108, %dma_start3A_142] : memref<40x128xi32, #tpu.memory_space<vmem>> -> memref<1x128xi32, #tpu.memory_space<vmem>>
        %dma_start3A_144 = tpu.memref_squeeze %dma_start3A_143 : memref<1x128xi32, #tpu.memory_space<vmem>> -> memref<128xi32, #tpu.memory_space<vmem>>
        %dma_start3A_145 = arith.constant 0 : i32
        %dma_start3A_146 = arith.constant 0 : i32
        %dma_start3A_147 = tpu.memref_slice %arg13[%dma_start3A_145, %dma_start3A_146] : memref<10240x128xf32, #tpu.memory_space<vmem_shared>> -> memref<10240x128xf32, #tpu.memory_space<vmem_shared>>
        tpu.enqueue_indirect_dma source(%arg11 : memref<128x128xf32, #tpu.memory_space<vmem>>) target(%dma_start3A_147 : memref<10240x128xf32, #tpu.memory_space<vmem_shared>>) offsets(%dma_start3A_144 : memref<128xi32, #tpu.memory_space<vmem>>) semaphore(%run_scoped3A_141 : memref<!tpu.dma_semaphore, #tpu.memory_space<semaphore_mem>>) {add = true}
        %dma_wait3A_148 = arith.constant 0 : i32
        %dma_wait3A_149 = tpu.memref_slice %arg10[%add3A_108, %dma_wait3A_148] : memref<40x128xi32, #tpu.memory_space<vmem>> -> memref<1x128xi32, #tpu.memory_space<vmem>>
        %dma_wait3A_150 = tpu.memref_squeeze %dma_wait3A_149 : memref<1x128xi32, #tpu.memory_space<vmem>> -> memref<128xi32, #tpu.memory_space<vmem>>
        %dma_wait3A_151 = arith.constant 0 : i32
        %dma_wait3A_152 = arith.constant 0 : i32
        %dma_wait3A_153 = tpu.memref_slice %arg13[%dma_wait3A_151, %dma_wait3A_152] : memref<10240x128xf32, #tpu.memory_space<vmem_shared>> -> memref<10240x128xf32, #tpu.memory_space<vmem_shared>>
        tpu.wait_indirect_dma semaphore(%run_scoped3A_141 : memref<!tpu.dma_semaphore, #tpu.memory_space<semaphore_mem>>) src(%arg11 : memref<128x128xf32, #tpu.memory_space<vmem>>) dst(%dma_wait3A_153 : memref<10240x128xf32, #tpu.memory_space<vmem_shared>>)
        tpu.yield
      }) : () -> ()
      %add3A_116 = arith.constant 2 : i32
      %add3A_117 = arith.addi %add3A_108, %add3A_116 : i32
      %dma_start3A_118 = arith.constant 0 : i32
      %dma_start3A_119 = tpu.memref_slice %arg9[%add3A_117, %dma_start3A_118] : memref<40x128xi32, #tpu.memory_space<vmem>> -> memref<1x128xi32, #tpu.memory_space<vmem>>
      %dma_start3A_120 = tpu.memref_squeeze %dma_start3A_119 : memref<1x128xi32, #tpu.memory_space<vmem>> -> memref<128xi32, #tpu.memory_space<vmem>>
      %dma_start3A_121 = arith.constant 0 : i32
      %dma_start3A_122 = arith.constant 0 : i32
      %dma_start3A_123 = tpu.memref_slice %arg4[%dma_start3A_121, %dma_start3A_122] : memref<270000x128xf32, #tpu.memory_space<hbm>> -> memref<270000x128xf32, #tpu.memory_space<hbm>>
      tpu.enqueue_indirect_dma source(%dma_start3A_123 : memref<270000x128xf32, #tpu.memory_space<hbm>>) target(%arg11 : memref<128x128xf32, #tpu.memory_space<vmem>>) offsets(%dma_start3A_120 : memref<128xi32, #tpu.memory_space<vmem>>) semaphore(%arg14 : memref<!tpu.dma_semaphore, #tpu.memory_space<semaphore_mem>>)
      %add3A_124 = arith.constant 1 : i32
      %add3A_125 = arith.addi %mul3A_106, %add3A_124 : i32
      %dma_wait3A_126 = arith.constant 0 : i32
      %dma_wait3A_127 = arith.constant 0 : i32
      %dma_wait3A_128 = tpu.memref_slice %arg9[%dma_wait3A_126, %dma_wait3A_127] : memref<40x128xi32, #tpu.memory_space<vmem>> -> memref<1x128xi32, #tpu.memory_space<vmem>>
      %dma_wait3A_129 = tpu.memref_squeeze %dma_wait3A_128 : memref<1x128xi32, #tpu.memory_space<vmem>> -> memref<128xi32, #tpu.memory_space<vmem>>
      %dma_wait3A_130 = arith.constant 0 : i32
      %dma_wait3A_131 = arith.constant 0 : i32
      %dma_wait3A_132 = tpu.memref_slice %arg4[%dma_wait3A_130, %dma_wait3A_131] : memref<270000x128xf32, #tpu.memory_space<hbm>> -> memref<270000x128xf32, #tpu.memory_space<hbm>>
      tpu.wait_indirect_dma semaphore(%arg15 : memref<!tpu.dma_semaphore, #tpu.memory_space<semaphore_mem>>) src(%dma_wait3A_132 : memref<270000x128xf32, #tpu.memory_space<hbm>>) dst(%arg12 : memref<128x128xf32, #tpu.memory_space<vmem>>)
      "tpu.region"() ({
        %run_scoped3A_141 = tpu.sem_alloc : memref<!tpu.dma_semaphore, #tpu.memory_space<semaphore_mem>>
        %dma_start3A_142 = arith.constant 0 : i32
        %dma_start3A_143 = tpu.memref_slice %arg10[%add3A_125, %dma_start3A_142] : memref<40x128xi32, #tpu.memory_space<vmem>> -> memref<1x128xi32, #tpu.memory_space<vmem>>
        %dma_start3A_144 = tpu.memref_squeeze %dma_start3A_143 : memref<1x128xi32, #tpu.memory_space<vmem>> -> memref<128xi32, #tpu.memory_space<vmem>>
        %dma_start3A_145 = arith.constant 0 : i32
        %dma_start3A_146 = arith.constant 0 : i32
        %dma_start3A_147 = tpu.memref_slice %arg13[%dma_start3A_145, %dma_start3A_146] : memref<10240x128xf32, #tpu.memory_space<vmem_shared>> -> memref<10240x128xf32, #tpu.memory_space<vmem_shared>>
        tpu.enqueue_indirect_dma source(%arg12 : memref<128x128xf32, #tpu.memory_space<vmem>>) target(%dma_start3A_147 : memref<10240x128xf32, #tpu.memory_space<vmem_shared>>) offsets(%dma_start3A_144 : memref<128xi32, #tpu.memory_space<vmem>>) semaphore(%run_scoped3A_141 : memref<!tpu.dma_semaphore, #tpu.memory_space<semaphore_mem>>) {add = true}
        %dma_wait3A_148 = arith.constant 0 : i32
        %dma_wait3A_149 = tpu.memref_slice %arg10[%add3A_125, %dma_wait3A_148] : memref<40x128xi32, #tpu.memory_space<vmem>> -> memref<1x128xi32, #tpu.memory_space<vmem>>
        %dma_wait3A_150 = tpu.memref_squeeze %dma_wait3A_149 : memref<1x128xi32, #tpu.memory_space<vmem>> -> memref<128xi32, #tpu.memory_space<vmem>>
        %dma_wait3A_151 = arith.constant 0 : i32
        %dma_wait3A_152 = arith.constant 0 : i32
        %dma_wait3A_153 = tpu.memref_slice %arg13[%dma_wait3A_151, %dma_wait3A_152] : memref<10240x128xf32, #tpu.memory_space<vmem_shared>> -> memref<10240x128xf32, #tpu.memory_space<vmem_shared>>
        tpu.wait_indirect_dma semaphore(%run_scoped3A_141 : memref<!tpu.dma_semaphore, #tpu.memory_space<semaphore_mem>>) src(%arg12 : memref<128x128xf32, #tpu.memory_space<vmem>>) dst(%dma_wait3A_153 : memref<10240x128xf32, #tpu.memory_space<vmem_shared>>)
        tpu.yield
      }) : () -> ()
      %add3A_133 = arith.constant 2 : i32
      %add3A_134 = arith.addi %add3A_125, %add3A_133 : i32
      %dma_start3A_135 = arith.constant 0 : i32
      %dma_start3A_136 = tpu.memref_slice %arg9[%add3A_134, %dma_start3A_135] : memref<40x128xi32, #tpu.memory_space<vmem>> -> memref<1x128xi32, #tpu.memory_space<vmem>>
      %dma_start3A_137 = tpu.memref_squeeze %dma_start3A_136 : memref<1x128xi32, #tpu.memory_space<vmem>> -> memref<128xi32, #tpu.memory_space<vmem>>
      %dma_start3A_138 = arith.constant 0 : i32
      %dma_start3A_139 = arith.constant 0 : i32
      %dma_start3A_140 = tpu.memref_slice %arg4[%dma_start3A_138, %dma_start3A_139] : memref<270000x128xf32, #tpu.memory_space<hbm>> -> memref<270000x128xf32, #tpu.memory_space<hbm>>
      tpu.enqueue_indirect_dma source(%dma_start3A_140 : memref<270000x128xf32, #tpu.memory_space<hbm>>) target(%arg12 : memref<128x128xf32, #tpu.memory_space<vmem>>) offsets(%dma_start3A_137 : memref<128xi32, #tpu.memory_space<vmem>>) semaphore(%arg15 : memref<!tpu.dma_semaphore, #tpu.memory_space<semaphore_mem>>)
    }
    %scan3A_79 = arith.constant 19 : i32
    %dma_wait3A_80 = arith.constant 0 : i32
    %dma_wait3A_81 = arith.constant 0 : i32
    %dma_wait3A_82 = tpu.memref_slice %arg9[%dma_wait3A_80, %dma_wait3A_81] : memref<40x128xi32, #tpu.memory_space<vmem>> -> memref<1x128xi32, #tpu.memory_space<vmem>>
    %dma_wait3A_83 = tpu.memref_squeeze %dma_wait3A_82 : memref<1x128xi32, #tpu.memory_space<vmem>> -> memref<128xi32, #tpu.memory_space<vmem>>
    %dma_wait3A_84 = arith.constant 0 : i32
    %dma_wait3A_85 = arith.constant 0 : i32
    %dma_wait3A_86 = tpu.memref_slice %arg4[%dma_wait3A_84, %dma_wait3A_85] : memref<270000x128xf32, #tpu.memory_space<hbm>> -> memref<270000x128xf32, #tpu.memory_space<hbm>>
    tpu.wait_indirect_dma semaphore(%arg14 : memref<!tpu.dma_semaphore, #tpu.memory_space<semaphore_mem>>) src(%dma_wait3A_86 : memref<270000x128xf32, #tpu.memory_space<hbm>>) dst(%arg11 : memref<128x128xf32, #tpu.memory_space<vmem>>)
    %run_scoped3A_87 = arith.constant 38 : i32
    "tpu.region"() ({
      %run_scoped3A_104 = tpu.sem_alloc : memref<!tpu.dma_semaphore, #tpu.memory_space<semaphore_mem>>
      %dma_start3A_105 = arith.constant 0 : i32
      %dma_start3A_106 = tpu.memref_slice %arg10[%run_scoped3A_87, %dma_start3A_105] : memref<40x128xi32, #tpu.memory_space<vmem>> -> memref<1x128xi32, #tpu.memory_space<vmem>>
      %dma_start3A_107 = tpu.memref_squeeze %dma_start3A_106 : memref<1x128xi32, #tpu.memory_space<vmem>> -> memref<128xi32, #tpu.memory_space<vmem>>
      %dma_start3A_108 = arith.constant 0 : i32
      %dma_start3A_109 = arith.constant 0 : i32
      %dma_start3A_110 = tpu.memref_slice %arg13[%dma_start3A_108, %dma_start3A_109] : memref<10240x128xf32, #tpu.memory_space<vmem_shared>> -> memref<10240x128xf32, #tpu.memory_space<vmem_shared>>
      tpu.enqueue_indirect_dma source(%arg11 : memref<128x128xf32, #tpu.memory_space<vmem>>) target(%dma_start3A_110 : memref<10240x128xf32, #tpu.memory_space<vmem_shared>>) offsets(%dma_start3A_107 : memref<128xi32, #tpu.memory_space<vmem>>) semaphore(%run_scoped3A_104 : memref<!tpu.dma_semaphore, #tpu.memory_space<semaphore_mem>>) {add = true}
      %dma_wait3A_111 = arith.constant 0 : i32
      %dma_wait3A_112 = tpu.memref_slice %arg10[%run_scoped3A_87, %dma_wait3A_111] : memref<40x128xi32, #tpu.memory_space<vmem>> -> memref<1x128xi32, #tpu.memory_space<vmem>>
      %dma_wait3A_113 = tpu.memref_squeeze %dma_wait3A_112 : memref<1x128xi32, #tpu.memory_space<vmem>> -> memref<128xi32, #tpu.memory_space<vmem>>
      %dma_wait3A_114 = arith.constant 0 : i32
      %dma_wait3A_115 = arith.constant 0 : i32
      %dma_wait3A_116 = tpu.memref_slice %arg13[%dma_wait3A_114, %dma_wait3A_115] : memref<10240x128xf32, #tpu.memory_space<vmem_shared>> -> memref<10240x128xf32, #tpu.memory_space<vmem_shared>>
      tpu.wait_indirect_dma semaphore(%run_scoped3A_104 : memref<!tpu.dma_semaphore, #tpu.memory_space<semaphore_mem>>) src(%arg11 : memref<128x128xf32, #tpu.memory_space<vmem>>) dst(%dma_wait3A_116 : memref<10240x128xf32, #tpu.memory_space<vmem_shared>>)
      tpu.yield
    }) : () -> ()
    %dma_wait3A_88 = arith.constant 0 : i32
    %dma_wait3A_89 = arith.constant 0 : i32
    %dma_wait3A_90 = tpu.memref_slice %arg9[%dma_wait3A_88, %dma_wait3A_89] : memref<40x128xi32, #tpu.memory_space<vmem>> -> memref<1x128xi32, #tpu.memory_space<vmem>>
    %dma_wait3A_91 = tpu.memref_squeeze %dma_wait3A_90 : memref<1x128xi32, #tpu.memory_space<vmem>> -> memref<128xi32, #tpu.memory_space<vmem>>
    %dma_wait3A_92 = arith.constant 0 : i32
    %dma_wait3A_93 = arith.constant 0 : i32
    %dma_wait3A_94 = tpu.memref_slice %arg4[%dma_wait3A_92, %dma_wait3A_93] : memref<270000x128xf32, #tpu.memory_space<hbm>> -> memref<270000x128xf32, #tpu.memory_space<hbm>>
    tpu.wait_indirect_dma semaphore(%arg15 : memref<!tpu.dma_semaphore, #tpu.memory_space<semaphore_mem>>) src(%dma_wait3A_94 : memref<270000x128xf32, #tpu.memory_space<hbm>>) dst(%arg12 : memref<128x128xf32, #tpu.memory_space<vmem>>)
    %run_scoped3A_95 = arith.constant 39 : i32
    "tpu.region"() ({
      %run_scoped3A_104 = tpu.sem_alloc : memref<!tpu.dma_semaphore, #tpu.memory_space<semaphore_mem>>
      %dma_start3A_105 = arith.constant 0 : i32
      %dma_start3A_106 = tpu.memref_slice %arg10[%run_scoped3A_95, %dma_start3A_105] : memref<40x128xi32, #tpu.memory_space<vmem>> -> memref<1x128xi32, #tpu.memory_space<vmem>>
      %dma_start3A_107 = tpu.memref_squeeze %dma_start3A_106 : memref<1x128xi32, #tpu.memory_space<vmem>> -> memref<128xi32, #tpu.memory_space<vmem>>
      %dma_start3A_108 = arith.constant 0 : i32
      %dma_start3A_109 = arith.constant 0 : i32
      %dma_start3A_110 = tpu.memref_slice %arg13[%dma_start3A_108, %dma_start3A_109] : memref<10240x128xf32, #tpu.memory_space<vmem_shared>> -> memref<10240x128xf32, #tpu.memory_space<vmem_shared>>
      tpu.enqueue_indirect_dma source(%arg12 : memref<128x128xf32, #tpu.memory_space<vmem>>) target(%dma_start3A_110 : memref<10240x128xf32, #tpu.memory_space<vmem_shared>>) offsets(%dma_start3A_107 : memref<128xi32, #tpu.memory_space<vmem>>) semaphore(%run_scoped3A_104 : memref<!tpu.dma_semaphore, #tpu.memory_space<semaphore_mem>>) {add = true}
      %dma_wait3A_111 = arith.constant 0 : i32
      %dma_wait3A_112 = tpu.memref_slice %arg10[%run_scoped3A_95, %dma_wait3A_111] : memref<40x128xi32, #tpu.memory_space<vmem>> -> memref<1x128xi32, #tpu.memory_space<vmem>>
      %dma_wait3A_113 = tpu.memref_squeeze %dma_wait3A_112 : memref<1x128xi32, #tpu.memory_space<vmem>> -> memref<128xi32, #tpu.memory_space<vmem>>
      %dma_wait3A_114 = arith.constant 0 : i32
      %dma_wait3A_115 = arith.constant 0 : i32
      %dma_wait3A_116 = tpu.memref_slice %arg13[%dma_wait3A_114, %dma_wait3A_115] : memref<10240x128xf32, #tpu.memory_space<vmem_shared>> -> memref<10240x128xf32, #tpu.memory_space<vmem_shared>>
      tpu.wait_indirect_dma semaphore(%run_scoped3A_104 : memref<!tpu.dma_semaphore, #tpu.memory_space<semaphore_mem>>) src(%arg12 : memref<128x128xf32, #tpu.memory_space<vmem>>) dst(%dma_wait3A_116 : memref<10240x128xf32, #tpu.memory_space<vmem_shared>>)
      tpu.yield
    }) : () -> ()
    %barrier3A_96 = arith.constant 0 : index
    tpu.barrier barrier_id(%barrier3A_96)
    %mul3A_97 = arith.constant 640 : i32
    %mul3A_98 = arith.muli %arg1, %mul3A_97 : i32
    %mul3A_99 = arith.constant 10240 : i32
    %mul3A_100 = arith.muli %arg0, %mul3A_99 : i32
    %mul3A_101 = arith.constant 640 : i32
    %mul3A_102 = arith.muli %arg1, %mul3A_101 : i32
    %add3A_103 = arith.addi %mul3A_100, %mul3A_102 : i32
    "tpu.region"() ({
      %run_scoped3A_104 = tpu.sem_alloc : memref<!tpu.dma_semaphore, #tpu.memory_space<semaphore_mem>>
      %dma_start3A_105 = arith.constant 0 : i32
      %dma_start3A_106 = tpu.memref_slice %arg5[%add3A_103, %dma_start3A_105] : memref<20480x128xf32, #tpu.memory_space<hbm>> -> memref<640x128xf32, #tpu.memory_space<hbm>>
      %dma_start3A_107 = arith.constant 0 : i32
      %dma_start3A_108 = tpu.memref_slice %arg13[%mul3A_98, %dma_start3A_107] : memref<10240x128xf32, #tpu.memory_space<vmem_shared>> -> memref<640x128xf32, #tpu.memory_space<vmem_shared>>
      tpu.enqueue_dma source(%dma_start3A_108 : memref<640x128xf32, #tpu.memory_space<vmem_shared>>) target(%dma_start3A_106 : memref<640x128xf32, #tpu.memory_space<hbm>>) target_semaphore(%run_scoped3A_104 : memref<!tpu.dma_semaphore, #tpu.memory_space<semaphore_mem>>)
      %dma_wait3A_109 = arith.constant 0 : i32
      %dma_wait3A_110 = tpu.memref_slice %arg5[%add3A_103, %dma_wait3A_109] : memref<20480x128xf32, #tpu.memory_space<hbm>> -> memref<640x128xf32, #tpu.memory_space<hbm>>
      %dma_wait3A_111 = arith.constant 0 : i32
      %dma_wait3A_112 = tpu.memref_slice %arg13[%mul3A_98, %dma_wait3A_111] : memref<10240x128xf32, #tpu.memory_space<vmem_shared>> -> memref<640x128xf32, #tpu.memory_space<vmem_shared>>
      tpu.wait_dma2 semaphore(%run_scoped3A_104 : memref<!tpu.dma_semaphore, #tpu.memory_space<semaphore_mem>>) src(%dma_wait3A_112 : memref<640x128xf32, #tpu.memory_space<vmem_shared>>) dst(%dma_wait3A_110 : memref<640x128xf32, #tpu.memory_space<hbm>>)
      tpu.yield
    }) : () -> ()
    return
  }
}

#map = affine_map<(d0, d1) -> (0, 0, 0)>
#map1 = affine_map<(d0, d1) -> (0, 0)>
module attributes {stable_mosaic.version = 14 : i64} {
  func.func @new_body(%arg0: i32, %arg1: i32, %arg2: memref<32x80x128xi32, #tpu.memory_space<hbm>>, %arg3: memref<32x80x128xi32, #tpu.memory_space<hbm>>, %arg4: memref<270000x128xf32, #tpu.memory_space<hbm>>, %arg5: memref<20480x128xf32, #tpu.memory_space<hbm>>, %arg6: memref<32x80x128xi32, #tpu.memory_space<hbm>>, %arg7: memref<32x80x128xi32, #tpu.memory_space<hbm>>, %arg8: memref<270000x128xf32, #tpu.memory_space<hbm>>, %arg9: memref<40x128xi32, #tpu.memory_space<vmem>>, %arg10: memref<40x128xi32, #tpu.memory_space<vmem>>, %arg11: memref<128x128xf32, #tpu.memory_space<vmem>>, %arg12: memref<128x128xf32, #tpu.memory_space<vmem>>, %arg13: memref<10240x128xf32, #tpu.memory_space<vmem_shared>>, %arg14: memref<!tpu.dma_semaphore, #tpu.memory_space<semaphore_mem>>, %arg15: memref<!tpu.dma_semaphore, #tpu.memory_space<semaphore_mem>>) attributes {dimension_semantics = [#tpu.dimension_semantics<core_parallel>, #tpu.dimension_semantics<subcore_parallel>], iteration_bounds = array<i64: 2, 16>, scalar_prefetch = 0 : i64, scratch_operands = 7 : i64, tpu.core_type = #tpu.core_type<sc_vector_subcore>, window_params = [{transform_indices = #map}, {transform_indices = #map}, {transform_indices = #map1}, {transform_indices = #map1}, {transform_indices = #map}, {transform_indices = #map}, {transform_indices = #map1}]} {
    %mul3A = arith.constant 16 : i32
    %mul3A_0 = arith.muli %arg0, %mul3A : i32
    %add3A = arith.addi %mul3A_0, %arg1 : i32
    %broadcast_in_dim3A = arith.constant 0.000000e+00 : f32
    %broadcast_in_dim3A_1 = vector.broadcast %broadcast_in_dim3A : f32 to vector<16xf32>
    %scan3A = arith.constant 0 : i32
    %scan3A_2 = arith.constant 0 : i32
    %scan3A_3 = arith.constant 128 : i32
    %scan3A_4 = arith.addi %scan3A_2, %scan3A_3 : i32
    %scan3A_5 = arith.constant 1 : i32
    scf.for %scan3A_104 = %scan3A_2 to %scan3A_4 step %scan3A_5  : i32 {
      %swap3A = arith.index_cast %scan3A_104 : i32 to index
      %swap3A_105 = arith.constant 0 : index
      %swap3A_106 = tpu.vector_load %arg11[%swap3A, %swap3A_105] {strides = array<i32>} : memref<128x128xf32, #tpu.memory_space<vmem>>, vector<1x16xf32>,
      %swap3A_107 = vector.shape_cast %swap3A_106 : vector<1x16xf32> to vector<16xf32>
      %swap3A_108 = vector.shape_cast %broadcast_in_dim3A_1 : vector<16xf32> to vector<1x16xf32>
      tpu.vector_store %arg11[%swap3A, %swap3A_105], %swap3A_108 {strides = array<i32>} : memref<128x128xf32, #tpu.memory_space<vmem>>, vector<1x16xf32>,
      %swap3A_109 = arith.index_cast %scan3A_104 : i32 to index
      %swap3A_110 = arith.constant 16 : index
      %swap3A_111 = tpu.vector_load %arg11[%swap3A_109, %swap3A_110] {strides = array<i32>} : memref<128x128xf32, #tpu.memory_space<vmem>>, vector<1x16xf32>,
      %swap3A_112 = vector.shape_cast %swap3A_111 : vector<1x16xf32> to vector<16xf32>
      %swap3A_113 = vector.shape_cast %broadcast_in_dim3A_1 : vector<16xf32> to vector<1x16xf32>
      tpu.vector_store %arg11[%swap3A_109, %swap3A_110], %swap3A_113 {strides = array<i32>} : memref<128x128xf32, #tpu.memory_space<vmem>>, vector<1x16xf32>,
      %swap3A_114 = arith.index_cast %scan3A_104 : i32 to index
      %swap3A_115 = arith.constant 32 : index
      %swap3A_116 = tpu.vector_load %arg11[%swap3A_114, %swap3A_115] {strides = array<i32>} : memref<128x128xf32, #tpu.memory_space<vmem>>, vector<1x16xf32>,
      %swap3A_117 = vector.shape_cast %swap3A_116 : vector<1x16xf32> to vector<16xf32>
      %swap3A_118 = vector.shape_cast %broadcast_in_dim3A_1 : vector<16xf32> to vector<1x16xf32>
      tpu.vector_store %arg11[%swap3A_114, %swap3A_115], %swap3A_118 {strides = array<i32>} : memref<128x128xf32, #tpu.memory_space<vmem>>, vector<1x16xf32>,
      %swap3A_119 = arith.index_cast %scan3A_104 : i32 to index
      %swap3A_120 = arith.constant 48 : index
      %swap3A_121 = tpu.vector_load %arg11[%swap3A_119, %swap3A_120] {strides = array<i32>} : memref<128x128xf32, #tpu.memory_space<vmem>>, vector<1x16xf32>,
      %swap3A_122 = vector.shape_cast %swap3A_121 : vector<1x16xf32> to vector<16xf32>
      %swap3A_123 = vector.shape_cast %broadcast_in_dim3A_1 : vector<16xf32> to vector<1x16xf32>
      tpu.vector_store %arg11[%swap3A_119, %swap3A_120], %swap3A_123 {strides = array<i32>} : memref<128x128xf32, #tpu.memory_space<vmem>>, vector<1x16xf32>,
      %swap3A_124 = arith.index_cast %scan3A_104 : i32 to index
      %swap3A_125 = arith.constant 64 : index
      %swap3A_126 = tpu.vector_load %arg11[%swap3A_124, %swap3A_125] {strides = array<i32>} : memref<128x128xf32, #tpu.memory_space<vmem>>, vector<1x16xf32>,
      %swap3A_127 = vector.shape_cast %swap3A_126 : vector<1x16xf32> to vector<16xf32>
      %swap3A_128 = vector.shape_cast %broadcast_in_dim3A_1 : vector<16xf32> to vector<1x16xf32>
      tpu.vector_store %arg11[%swap3A_124, %swap3A_125], %swap3A_128 {strides = array<i32>} : memref<128x128xf32, #tpu.memory_space<vmem>>, vector<1x16xf32>,
      %swap3A_129 = arith.index_cast %scan3A_104 : i32 to index
      %swap3A_130 = arith.constant 80 : index
      %swap3A_131 = tpu.vector_load %arg11[%swap3A_129, %swap3A_130] {strides = array<i32>} : memref<128x128xf32, #tpu.memory_space<vmem>>, vector<1x16xf32>,
      %swap3A_132 = vector.shape_cast %swap3A_131 : vector<1x16xf32> to vector<16xf32>
      %swap3A_133 = vector.shape_cast %broadcast_in_dim3A_1 : vector<16xf32> to vector<1x16xf32>
      tpu.vector_store %arg11[%swap3A_129, %swap3A_130], %swap3A_133 {strides = array<i32>} : memref<128x128xf32, #tpu.memory_space<vmem>>, vector<1x16xf32>,
      %swap3A_134 = arith.index_cast %scan3A_104 : i32 to index
      %swap3A_135 = arith.constant 96 : index
      %swap3A_136 = tpu.vector_load %arg11[%swap3A_134, %swap3A_135] {strides = array<i32>} : memref<128x128xf32, #tpu.memory_space<vmem>>, vector<1x16xf32>,
      %swap3A_137 = vector.shape_cast %swap3A_136 : vector<1x16xf32> to vector<16xf32>
      %swap3A_138 = vector.shape_cast %broadcast_in_dim3A_1 : vector<16xf32> to vector<1x16xf32>
      tpu.vector_store %arg11[%swap3A_134, %swap3A_135], %swap3A_138 {strides = array<i32>} : memref<128x128xf32, #tpu.memory_space<vmem>>, vector<1x16xf32>,
      %swap3A_139 = arith.index_cast %scan3A_104 : i32 to index
      %swap3A_140 = arith.constant 112 : index
      %swap3A_141 = tpu.vector_load %arg11[%swap3A_139, %swap3A_140] {strides = array<i32>} : memref<128x128xf32, #tpu.memory_space<vmem>>, vector<1x16xf32>,
      %swap3A_142 = vector.shape_cast %swap3A_141 : vector<1x16xf32> to vector<16xf32>
      %swap3A_143 = vector.shape_cast %broadcast_in_dim3A_1 : vector<16xf32> to vector<1x16xf32>
      tpu.vector_store %arg11[%swap3A_139, %swap3A_140], %swap3A_143 {strides = array<i32>} : memref<128x128xf32, #tpu.memory_space<vmem>>, vector<1x16xf32>,
    }
    %scan3A_6 = arith.constant 128 : i32
    %mul3A_7 = arith.constant 640 : i32
    %mul3A_8 = arith.muli %arg1, %mul3A_7 : i32
    %add3A_9 = arith.constant 0 : i32
    %add3A_10 = arith.addi %mul3A_8, %add3A_9 : i32
    "tpu.region"() ({
      %run_scoped3A_104 = tpu.sem_alloc : memref<!tpu.dma_semaphore, #tpu.memory_space<semaphore_mem>>
      %dma_start3A_105 = arith.constant 0 : i32
      %dma_start3A_106 = tpu.memref_slice %arg13[%add3A_10, %dma_start3A_105] : memref<10240x128xf32, #tpu.memory_space<vmem_shared>> -> memref<128x128xf32, #tpu.memory_space<vmem_shared>>
      %dma_start3A_107 = arith.constant 0 : i32
      %dma_start3A_108 = tpu.memref_slice %arg13[%add3A_10, %dma_start3A_107] : memref<10240x128xf32, #tpu.memory_space<vmem_shared>> -> memref<128x128xf32, #tpu.memory_space<vmem_shared>>
      tpu.enqueue_dma source(%arg11 : memref<128x128xf32, #tpu.memory_space<vmem>>) target(%dma_start3A_108 : memref<128x128xf32, #tpu.memory_space<vmem_shared>>) target_semaphore(%run_scoped3A_104 : memref<!tpu.dma_semaphore, #tpu.memory_space<semaphore_mem>>)
      %dma_wait3A_109 = arith.constant 0 : i32
      %dma_wait3A_110 = tpu.memref_slice %arg13[%add3A_10, %dma_wait3A_109] : memref<10240x128xf32, #tpu.memory_space<vmem_shared>> -> memref<128x128xf32, #tpu.memory_space<vmem_shared>>
      %dma_wait3A_111 = arith.constant 0 : i32
      %dma_wait3A_112 = tpu.memref_slice %arg13[%add3A_10, %dma_wait3A_111] : memref<10240x128xf32, #tpu.memory_space<vmem_shared>> -> memref<128x128xf32, #tpu.memory_space<vmem_shared>>
      tpu.wait_dma2 semaphore(%run_scoped3A_104 : memref<!tpu.dma_semaphore, #tpu.memory_space<semaphore_mem>>) src(%arg11 : memref<128x128xf32, #tpu.memory_space<vmem>>) dst(%dma_wait3A_112 : memref<128x128xf32, #tpu.memory_space<vmem_shared>>)
      tpu.yield
    }) : () -> ()
    %mul3A_11 = arith.constant 640 : i32
    %mul3A_12 = arith.muli %arg1, %mul3A_11 : i32
    %add3A_13 = arith.constant 128 : i32
    %add3A_14 = arith.addi %mul3A_12, %add3A_13 : i32
    "tpu.region"() ({
      %run_scoped3A_104 = tpu.sem_alloc : memref<!tpu.dma_semaphore, #tpu.memory_space<semaphore_mem>>
      %dma_start3A_105 = arith.constant 0 : i32
      %dma_start3A_106 = tpu.memref_slice %arg13[%add3A_14, %dma_start3A_105] : memref<10240x128xf32, #tpu.memory_space<vmem_shared>> -> memref<128x128xf32, #tpu.memory_space<vmem_shared>>
      %dma_start3A_107 = arith.constant 0 : i32
      %dma_start3A_108 = tpu.memref_slice %arg13[%add3A_14, %dma_start3A_107] : memref<10240x128xf32, #tpu.memory_space<vmem_shared>> -> memref<128x128xf32, #tpu.memory_space<vmem_shared>>
      tpu.enqueue_dma source(%arg11 : memref<128x128xf32, #tpu.memory_space<vmem>>) target(%dma_start3A_108 : memref<128x128xf32, #tpu.memory_space<vmem_shared>>) target_semaphore(%run_scoped3A_104 : memref<!tpu.dma_semaphore, #tpu.memory_space<semaphore_mem>>)
      %dma_wait3A_109 = arith.constant 0 : i32
      %dma_wait3A_110 = tpu.memref_slice %arg13[%add3A_14, %dma_wait3A_109] : memref<10240x128xf32, #tpu.memory_space<vmem_shared>> -> memref<128x128xf32, #tpu.memory_space<vmem_shared>>
      %dma_wait3A_111 = arith.constant 0 : i32
      %dma_wait3A_112 = tpu.memref_slice %arg13[%add3A_14, %dma_wait3A_111] : memref<10240x128xf32, #tpu.memory_space<vmem_shared>> -> memref<128x128xf32, #tpu.memory_space<vmem_shared>>
      tpu.wait_dma2 semaphore(%run_scoped3A_104 : memref<!tpu.dma_semaphore, #tpu.memory_space<semaphore_mem>>) src(%arg11 : memref<128x128xf32, #tpu.memory_space<vmem>>) dst(%dma_wait3A_112 : memref<128x128xf32, #tpu.memory_space<vmem_shared>>)
      tpu.yield
    }) : () -> ()
    %mul3A_15 = arith.constant 640 : i32
    %mul3A_16 = arith.muli %arg1, %mul3A_15 : i32
    %add3A_17 = arith.constant 256 : i32
    %add3A_18 = arith.addi %mul3A_16, %add3A_17 : i32
    "tpu.region"() ({
      %run_scoped3A_104 = tpu.sem_alloc : memref<!tpu.dma_semaphore, #tpu.memory_space<semaphore_mem>>
      %dma_start3A_105 = arith.constant 0 : i32
      %dma_start3A_106 = tpu.memref_slice %arg13[%add3A_18, %dma_start3A_105] : memref<10240x128xf32, #tpu.memory_space<vmem_shared>> -> memref<128x128xf32, #tpu.memory_space<vmem_shared>>
      %dma_start3A_107 = arith.constant 0 : i32
      %dma_start3A_108 = tpu.memref_slice %arg13[%add3A_18, %dma_start3A_107] : memref<10240x128xf32, #tpu.memory_space<vmem_shared>> -> memref<128x128xf32, #tpu.memory_space<vmem_shared>>
      tpu.enqueue_dma source(%arg11 : memref<128x128xf32, #tpu.memory_space<vmem>>) target(%dma_start3A_108 : memref<128x128xf32, #tpu.memory_space<vmem_shared>>) target_semaphore(%run_scoped3A_104 : memref<!tpu.dma_semaphore, #tpu.memory_space<semaphore_mem>>)
      %dma_wait3A_109 = arith.constant 0 : i32
      %dma_wait3A_110 = tpu.memref_slice %arg13[%add3A_18, %dma_wait3A_109] : memref<10240x128xf32, #tpu.memory_space<vmem_shared>> -> memref<128x128xf32, #tpu.memory_space<vmem_shared>>
      %dma_wait3A_111 = arith.constant 0 : i32
      %dma_wait3A_112 = tpu.memref_slice %arg13[%add3A_18, %dma_wait3A_111] : memref<10240x128xf32, #tpu.memory_space<vmem_shared>> -> memref<128x128xf32, #tpu.memory_space<vmem_shared>>
      tpu.wait_dma2 semaphore(%run_scoped3A_104 : memref<!tpu.dma_semaphore, #tpu.memory_space<semaphore_mem>>) src(%arg11 : memref<128x128xf32, #tpu.memory_space<vmem>>) dst(%dma_wait3A_112 : memref<128x128xf32, #tpu.memory_space<vmem_shared>>)
      tpu.yield
    }) : () -> ()
    %mul3A_19 = arith.constant 640 : i32
    %mul3A_20 = arith.muli %arg1, %mul3A_19 : i32
    %add3A_21 = arith.constant 384 : i32
    %add3A_22 = arith.addi %mul3A_20, %add3A_21 : i32
    "tpu.region"() ({
      %run_scoped3A_104 = tpu.sem_alloc : memref<!tpu.dma_semaphore, #tpu.memory_space<semaphore_mem>>
      %dma_start3A_105 = arith.constant 0 : i32
      %dma_start3A_106 = tpu.memref_slice %arg13[%add3A_22, %dma_start3A_105] : memref<10240x128xf32, #tpu.memory_space<vmem_shared>> -> memref<128x128xf32, #tpu.memory_space<vmem_shared>>
      %dma_start3A_107 = arith.constant 0 : i32
      %dma_start3A_108 = tpu.memref_slice %arg13[%add3A_22, %dma_start3A_107] : memref<10240x128xf32, #tpu.memory_space<vmem_shared>> -> memref<128x128xf32, #tpu.memory_space<vmem_shared>>
      tpu.enqueue_dma source(%arg11 : memref<128x128xf32, #tpu.memory_space<vmem>>) target(%dma_start3A_108 : memref<128x128xf32, #tpu.memory_space<vmem_shared>>) target_semaphore(%run_scoped3A_104 : memref<!tpu.dma_semaphore, #tpu.memory_space<semaphore_mem>>)
      %dma_wait3A_109 = arith.constant 0 : i32
      %dma_wait3A_110 = tpu.memref_slice %arg13[%add3A_22, %dma_wait3A_109] : memref<10240x128xf32, #tpu.memory_space<vmem_shared>> -> memref<128x128xf32, #tpu.memory_space<vmem_shared>>
      %dma_wait3A_111 = arith.constant 0 : i32
      %dma_wait3A_112 = tpu.memref_slice %arg13[%add3A_22, %dma_wait3A_111] : memref<10240x128xf32, #tpu.memory_space<vmem_shared>> -> memref<128x128xf32, #tpu.memory_space<vmem_shared>>
      tpu.wait_dma2 semaphore(%run_scoped3A_104 : memref<!tpu.dma_semaphore, #tpu.memory_space<semaphore_mem>>) src(%arg11 : memref<128x128xf32, #tpu.memory_space<vmem>>) dst(%dma_wait3A_112 : memref<128x128xf32, #tpu.memory_space<vmem_shared>>)
      tpu.yield
    }) : () -> ()
    %mul3A_23 = arith.constant 640 : i32
    %mul3A_24 = arith.muli %arg1, %mul3A_23 : i32
    %add3A_25 = arith.constant 512 : i32
    %add3A_26 = arith.addi %mul3A_24, %add3A_25 : i32
    "tpu.region"() ({
      %run_scoped3A_104 = tpu.sem_alloc : memref<!tpu.dma_semaphore, #tpu.memory_space<semaphore_mem>>
      %dma_start3A_105 = arith.constant 0 : i32
      %dma_start3A_106 = tpu.memref_slice %arg13[%add3A_26, %dma_start3A_105] : memref<10240x128xf32, #tpu.memory_space<vmem_shared>> -> memref<128x128xf32, #tpu.memory_space<vmem_shared>>
      %dma_start3A_107 = arith.constant 0 : i32
      %dma_start3A_108 = tpu.memref_slice %arg13[%add3A_26, %dma_start3A_107] : memref<10240x128xf32, #tpu.memory_space<vmem_shared>> -> memref<128x128xf32, #tpu.memory_space<vmem_shared>>
      tpu.enqueue_dma source(%arg11 : memref<128x128xf32, #tpu.memory_space<vmem>>) target(%dma_start3A_108 : memref<128x128xf32, #tpu.memory_space<vmem_shared>>) target_semaphore(%run_scoped3A_104 : memref<!tpu.dma_semaphore, #tpu.memory_space<semaphore_mem>>)
      %dma_wait3A_109 = arith.constant 0 : i32
      %dma_wait3A_110 = tpu.memref_slice %arg13[%add3A_26, %dma_wait3A_109] : memref<10240x128xf32, #tpu.memory_space<vmem_shared>> -> memref<128x128xf32, #tpu.memory_space<vmem_shared>>
      %dma_wait3A_111 = arith.constant 0 : i32
      %dma_wait3A_112 = tpu.memref_slice %arg13[%add3A_26, %dma_wait3A_111] : memref<10240x128xf32, #tpu.memory_space<vmem_shared>> -> memref<128x128xf32, #tpu.memory_space<vmem_shared>>
      tpu.wait_dma2 semaphore(%run_scoped3A_104 : memref<!tpu.dma_semaphore, #tpu.memory_space<semaphore_mem>>) src(%arg11 : memref<128x128xf32, #tpu.memory_space<vmem>>) dst(%dma_wait3A_112 : memref<128x128xf32, #tpu.memory_space<vmem_shared>>)
      tpu.yield
    }) : () -> ()
    %barrier3A = arith.constant 0 : index
    tpu.barrier barrier_id(%barrier3A)
    "tpu.region"() ({
      %run_scoped3A_104 = tpu.sem_alloc : memref<!tpu.dma_semaphore, #tpu.memory_space<semaphore_mem>>
      %dma_start3A_105 = arith.constant 0 : i32
      %dma_start3A_106 = arith.constant 0 : i32
      %dma_start3A_107 = tpu.memref_slice %arg2[%add3A, %dma_start3A_105, %dma_start3A_106] : memref<32x80x128xi32, #tpu.memory_space<hbm>> -> memref<1x40x128xi32, #tpu.memory_space<hbm>>
      %dma_start3A_108 = tpu.memref_squeeze %dma_start3A_107 : memref<1x40x128xi32, #tpu.memory_space<hbm>> -> memref<40x128xi32, #tpu.memory_space<hbm>>
      %dma_start3A_109 = arith.constant 0 : i32
      %dma_start3A_110 = arith.constant 0 : i32
      %dma_start3A_111 = tpu.memref_slice %arg2[%add3A, %dma_start3A_109, %dma_start3A_110] : memref<32x80x128xi32, #tpu.memory_space<hbm>> -> memref<1x40x128xi32, #tpu.memory_space<hbm>>
      %dma_start3A_112 = tpu.memref_squeeze %dma_start3A_111 : memref<1x40x128xi32, #tpu.memory_space<hbm>> -> memref<40x128xi32, #tpu.memory_space<hbm>>
      tpu.enqueue_dma source(%dma_start3A_112 : memref<40x128xi32, #tpu.memory_space<hbm>>) target(%arg9 : memref<40x128xi32, #tpu.memory_space<vmem>>) target_semaphore(%run_scoped3A_104 : memref<!tpu.dma_semaphore, #tpu.memory_space<semaphore_mem>>)
      %dma_wait3A_113 = arith.constant 0 : i32
      %dma_wait3A_114 = arith.constant 0 : i32
      %dma_wait3A_115 = tpu.memref_slice %arg2[%add3A, %dma_wait3A_113, %dma_wait3A_114] : memref<32x80x128xi32, #tpu.memory_space<hbm>> -> memref<1x40x128xi32, #tpu.memory_space<hbm>>
      %dma_wait3A_116 = tpu.memref_squeeze %dma_wait3A_115 : memref<1x40x128xi32, #tpu.memory_space<hbm>> -> memref<40x128xi32, #tpu.memory_space<hbm>>
      %dma_wait3A_117 = arith.constant 0 : i32
      %dma_wait3A_118 = arith.constant 0 : i32
      %dma_wait3A_119 = tpu.memref_slice %arg2[%add3A, %dma_wait3A_117, %dma_wait3A_118] : memref<32x80x128xi32, #tpu.memory_space<hbm>> -> memref<1x40x128xi32, #tpu.memory_space<hbm>>
      %dma_wait3A_120 = tpu.memref_squeeze %dma_wait3A_119 : memref<1x40x128xi32, #tpu.memory_space<hbm>> -> memref<40x128xi32, #tpu.memory_space<hbm>>
      tpu.wait_dma2 semaphore(%run_scoped3A_104 : memref<!tpu.dma_semaphore, #tpu.memory_space<semaphore_mem>>) src(%dma_wait3A_120 : memref<40x128xi32, #tpu.memory_space<hbm>>) dst(%arg9 : memref<40x128xi32, #tpu.memory_space<vmem>>)
      tpu.yield
    }) : () -> ()
    "tpu.region"() ({
      %run_scoped3A_104 = tpu.sem_alloc : memref<!tpu.dma_semaphore, #tpu.memory_space<semaphore_mem>>
      %dma_start3A_105 = arith.constant 0 : i32
      %dma_start3A_106 = arith.constant 0 : i32
      %dma_start3A_107 = tpu.memref_slice %arg3[%add3A, %dma_start3A_105, %dma_start3A_106] : memref<32x80x128xi32, #tpu.memory_space<hbm>> -> memref<1x40x128xi32, #tpu.memory_space<hbm>>
      %dma_start3A_108 = tpu.memref_squeeze %dma_start3A_107 : memref<1x40x128xi32, #tpu.memory_space<hbm>> -> memref<40x128xi32, #tpu.memory_space<hbm>>
      %dma_start3A_109 = arith.constant 0 : i32
      %dma_start3A_110 = arith.constant 0 : i32
      %dma_start3A_111 = tpu.memref_slice %arg3[%add3A, %dma_start3A_109, %dma_start3A_110] : memref<32x80x128xi32, #tpu.memory_space<hbm>> -> memref<1x40x128xi32, #tpu.memory_space<hbm>>
      %dma_start3A_112 = tpu.memref_squeeze %dma_start3A_111 : memref<1x40x128xi32, #tpu.memory_space<hbm>> -> memref<40x128xi32, #tpu.memory_space<hbm>>
      tpu.enqueue_dma source(%dma_start3A_112 : memref<40x128xi32, #tpu.memory_space<hbm>>) target(%arg10 : memref<40x128xi32, #tpu.memory_space<vmem>>) target_semaphore(%run_scoped3A_104 : memref<!tpu.dma_semaphore, #tpu.memory_space<semaphore_mem>>)
      %dma_wait3A_113 = arith.constant 0 : i32
      %dma_wait3A_114 = arith.constant 0 : i32
      %dma_wait3A_115 = tpu.memref_slice %arg3[%add3A, %dma_wait3A_113, %dma_wait3A_114] : memref<32x80x128xi32, #tpu.memory_space<hbm>> -> memref<1x40x128xi32, #tpu.memory_space<hbm>>
      %dma_wait3A_116 = tpu.memref_squeeze %dma_wait3A_115 : memref<1x40x128xi32, #tpu.memory_space<hbm>> -> memref<40x128xi32, #tpu.memory_space<hbm>>
      %dma_wait3A_117 = arith.constant 0 : i32
      %dma_wait3A_118 = arith.constant 0 : i32
      %dma_wait3A_119 = tpu.memref_slice %arg3[%add3A, %dma_wait3A_117, %dma_wait3A_118] : memref<32x80x128xi32, #tpu.memory_space<hbm>> -> memref<1x40x128xi32, #tpu.memory_space<hbm>>
      %dma_wait3A_120 = tpu.memref_squeeze %dma_wait3A_119 : memref<1x40x128xi32, #tpu.memory_space<hbm>> -> memref<40x128xi32, #tpu.memory_space<hbm>>
      tpu.wait_dma2 semaphore(%run_scoped3A_104 : memref<!tpu.dma_semaphore, #tpu.memory_space<semaphore_mem>>) src(%dma_wait3A_120 : memref<40x128xi32, #tpu.memory_space<hbm>>) dst(%arg10 : memref<40x128xi32, #tpu.memory_space<vmem>>)
      tpu.yield
    }) : () -> ()
    %dma_start3A = arith.constant 0 : i32
    %dma_start3A_27 = arith.constant 0 : i32
    %dma_start3A_28 = tpu.memref_slice %arg9[%dma_start3A, %dma_start3A_27] : memref<40x128xi32, #tpu.memory_space<vmem>> -> memref<1x128xi32, #tpu.memory_space<vmem>>
    %dma_start3A_29 = tpu.memref_squeeze %dma_start3A_28 : memref<1x128xi32, #tpu.memory_space<vmem>> -> memref<128xi32, #tpu.memory_space<vmem>>
    %dma_start3A_30 = arith.constant 0 : i32
    %dma_start3A_31 = arith.constant 0 : i32
    %dma_start3A_32 = tpu.memref_slice %arg4[%dma_start3A_30, %dma_start3A_31] : memref<270000x128xf32, #tpu.memory_space<hbm>> -> memref<270000x128xf32, #tpu.memory_space<hbm>>
    tpu.enqueue_indirect_dma source(%dma_start3A_32 : memref<270000x128xf32, #tpu.memory_space<hbm>>) target(%arg11 : memref<128x128xf32, #tpu.memory_space<vmem>>) offsets(%dma_start3A_29 : memref<128xi32, #tpu.memory_space<vmem>>) semaphore(%arg14 : memref<!tpu.dma_semaphore, #tpu.memory_space<semaphore_mem>>)
    %dma_start3A_33 = arith.constant 1 : i32
    %dma_start3A_34 = arith.constant 0 : i32
    %dma_start3A_35 = tpu.memref_slice %arg9[%dma_start3A_33, %dma_start3A_34] : memref<40x128xi32, #tpu.memory_space<vmem>> -> memref<1x128xi32, #tpu.memory_space<vmem>>
    %dma_start3A_36 = tpu.memref_squeeze %dma_start3A_35 : memref<1x128xi32, #tpu.memory_space<vmem>> -> memref<128xi32, #tpu.memory_space<vmem>>
    %dma_start3A_37 = arith.constant 0 : i32
    %dma_start3A_38 = arith.constant 0 : i32
    %dma_start3A_39 = tpu.memref_slice %arg4[%dma_start3A_37, %dma_start3A_38] : memref<270000x128xf32, #tpu.memory_space<hbm>> -> memref<270000x128xf32, #tpu.memory_space<hbm>>
    tpu.enqueue_indirect_dma source(%dma_start3A_39 : memref<270000x128xf32, #tpu.memory_space<hbm>>) target(%arg12 : memref<128x128xf32, #tpu.memory_space<vmem>>) offsets(%dma_start3A_36 : memref<128xi32, #tpu.memory_space<vmem>>) semaphore(%arg15 : memref<!tpu.dma_semaphore, #tpu.memory_space<semaphore_mem>>)
    %scan3A_40 = arith.constant 0 : i32
    %scan3A_41 = arith.constant 0 : i32
    %scan3A_42 = arith.constant 19 : i32
    %scan3A_43 = arith.addi %scan3A_41, %scan3A_42 : i32
    %scan3A_44 = arith.constant 1 : i32
    scf.for %scan3A_104 = %scan3A_41 to %scan3A_43 step %scan3A_44  : i32 {
      %mul3A_105 = arith.constant 2 : i32
      %mul3A_106 = arith.muli %scan3A_104, %mul3A_105 : i32
      %add3A_107 = arith.constant 0 : i32
      %add3A_108 = arith.addi %mul3A_106, %add3A_107 : i32
      %dma_wait3A_109 = arith.constant 0 : i32
      %dma_wait3A_110 = arith.constant 0 : i32
      %dma_wait3A_111 = tpu.memref_slice %arg9[%dma_wait3A_109, %dma_wait3A_110] : memref<40x128xi32, #tpu.memory_space<vmem>> -> memref<1x128xi32, #tpu.memory_space<vmem>>
      %dma_wait3A_112 = tpu.memref_squeeze %dma_wait3A_111 : memref<1x128xi32, #tpu.memory_space<vmem>> -> memref<128xi32, #tpu.memory_space<vmem>>
      %dma_wait3A_113 = arith.constant 0 : i32
      %dma_wait3A_114 = arith.constant 0 : i32
      %dma_wait3A_115 = tpu.memref_slice %arg4[%dma_wait3A_113, %dma_wait3A_114] : memref<270000x128xf32, #tpu.memory_space<hbm>> -> memref<270000x128xf32, #tpu.memory_space<hbm>>
      tpu.wait_indirect_dma semaphore(%arg14 : memref<!tpu.dma_semaphore, #tpu.memory_space<semaphore_mem>>) src(%dma_wait3A_115 : memref<270000x128xf32, #tpu.memory_space<hbm>>) dst(%arg11 : memref<128x128xf32, #tpu.memory_space<vmem>>)
      "tpu.region"() ({
        %run_scoped3A_141 = tpu.sem_alloc : memref<!tpu.dma_semaphore, #tpu.memory_space<semaphore_mem>>
        %dma_start3A_142 = arith.constant 0 : i32
        %dma_start3A_143 = tpu.memref_slice %arg10[%add3A_108, %dma_start3A_142] : memref<40x128xi32, #tpu.memory_space<vmem>> -> memref<1x128xi32, #tpu.memory_space<vmem>>
        %dma_start3A_144 = tpu.memref_squeeze %dma_start3A_143 : memref<1x128xi32, #tpu.memory_space<vmem>> -> memref<128xi32, #tpu.memory_space<vmem>>
        %dma_start3A_145 = arith.constant 0 : i32
        %dma_start3A_146 = arith.constant 0 : i32
        %dma_start3A_147 = tpu.memref_slice %arg13[%dma_start3A_145, %dma_start3A_146] : memref<10240x128xf32, #tpu.memory_space<vmem_shared>> -> memref<10240x128xf32, #tpu.memory_space<vmem_shared>>
        tpu.enqueue_indirect_dma source(%arg11 : memref<128x128xf32, #tpu.memory_space<vmem>>) target(%dma_start3A_147 : memref<10240x128xf32, #tpu.memory_space<vmem_shared>>) offsets(%dma_start3A_144 : memref<128xi32, #tpu.memory_space<vmem>>) semaphore(%run_scoped3A_141 : memref<!tpu.dma_semaphore, #tpu.memory_space<semaphore_mem>>) {add = true}
        %dma_wait3A_148 = arith.constant 0 : i32
        %dma_wait3A_149 = tpu.memref_slice %arg10[%add3A_108, %dma_wait3A_148] : memref<40x128xi32, #tpu.memory_space<vmem>> -> memref<1x128xi32, #tpu.memory_space<vmem>>
        %dma_wait3A_150 = tpu.memref_squeeze %dma_wait3A_149 : memref<1x128xi32, #tpu.memory_space<vmem>> -> memref<128xi32, #tpu.memory_space<vmem>>
        %dma_wait3A_151 = arith.constant 0 : i32
        %dma_wait3A_152 = arith.constant 0 : i32
        %dma_wait3A_153 = tpu.memref_slice %arg13[%dma_wait3A_151, %dma_wait3A_152] : memref<10240x128xf32, #tpu.memory_space<vmem_shared>> -> memref<10240x128xf32, #tpu.memory_space<vmem_shared>>
        tpu.wait_indirect_dma semaphore(%run_scoped3A_141 : memref<!tpu.dma_semaphore, #tpu.memory_space<semaphore_mem>>) src(%arg11 : memref<128x128xf32, #tpu.memory_space<vmem>>) dst(%dma_wait3A_153 : memref<10240x128xf32, #tpu.memory_space<vmem_shared>>)
        tpu.yield
      }) : () -> ()
      %add3A_116 = arith.constant 2 : i32
      %add3A_117 = arith.addi %add3A_108, %add3A_116 : i32
      %dma_start3A_118 = arith.constant 0 : i32
      %dma_start3A_119 = tpu.memref_slice %arg9[%add3A_117, %dma_start3A_118] : memref<40x128xi32, #tpu.memory_space<vmem>> -> memref<1x128xi32, #tpu.memory_space<vmem>>
      %dma_start3A_120 = tpu.memref_squeeze %dma_start3A_119 : memref<1x128xi32, #tpu.memory_space<vmem>> -> memref<128xi32, #tpu.memory_space<vmem>>
      %dma_start3A_121 = arith.constant 0 : i32
      %dma_start3A_122 = arith.constant 0 : i32
      %dma_start3A_123 = tpu.memref_slice %arg4[%dma_start3A_121, %dma_start3A_122] : memref<270000x128xf32, #tpu.memory_space<hbm>> -> memref<270000x128xf32, #tpu.memory_space<hbm>>
      tpu.enqueue_indirect_dma source(%dma_start3A_123 : memref<270000x128xf32, #tpu.memory_space<hbm>>) target(%arg11 : memref<128x128xf32, #tpu.memory_space<vmem>>) offsets(%dma_start3A_120 : memref<128xi32, #tpu.memory_space<vmem>>) semaphore(%arg14 : memref<!tpu.dma_semaphore, #tpu.memory_space<semaphore_mem>>)
      %add3A_124 = arith.constant 1 : i32
      %add3A_125 = arith.addi %mul3A_106, %add3A_124 : i32
      %dma_wait3A_126 = arith.constant 0 : i32
      %dma_wait3A_127 = arith.constant 0 : i32
      %dma_wait3A_128 = tpu.memref_slice %arg9[%dma_wait3A_126, %dma_wait3A_127] : memref<40x128xi32, #tpu.memory_space<vmem>> -> memref<1x128xi32, #tpu.memory_space<vmem>>
      %dma_wait3A_129 = tpu.memref_squeeze %dma_wait3A_128 : memref<1x128xi32, #tpu.memory_space<vmem>> -> memref<128xi32, #tpu.memory_space<vmem>>
      %dma_wait3A_130 = arith.constant 0 : i32
      %dma_wait3A_131 = arith.constant 0 : i32
      %dma_wait3A_132 = tpu.memref_slice %arg4[%dma_wait3A_130, %dma_wait3A_131] : memref<270000x128xf32, #tpu.memory_space<hbm>> -> memref<270000x128xf32, #tpu.memory_space<hbm>>
      tpu.wait_indirect_dma semaphore(%arg15 : memref<!tpu.dma_semaphore, #tpu.memory_space<semaphore_mem>>) src(%dma_wait3A_132 : memref<270000x128xf32, #tpu.memory_space<hbm>>) dst(%arg12 : memref<128x128xf32, #tpu.memory_space<vmem>>)
      "tpu.region"() ({
        %run_scoped3A_141 = tpu.sem_alloc : memref<!tpu.dma_semaphore, #tpu.memory_space<semaphore_mem>>
        %dma_start3A_142 = arith.constant 0 : i32
        %dma_start3A_143 = tpu.memref_slice %arg10[%add3A_125, %dma_start3A_142] : memref<40x128xi32, #tpu.memory_space<vmem>> -> memref<1x128xi32, #tpu.memory_space<vmem>>
        %dma_start3A_144 = tpu.memref_squeeze %dma_start3A_143 : memref<1x128xi32, #tpu.memory_space<vmem>> -> memref<128xi32, #tpu.memory_space<vmem>>
        %dma_start3A_145 = arith.constant 0 : i32
        %dma_start3A_146 = arith.constant 0 : i32
        %dma_start3A_147 = tpu.memref_slice %arg13[%dma_start3A_145, %dma_start3A_146] : memref<10240x128xf32, #tpu.memory_space<vmem_shared>> -> memref<10240x128xf32, #tpu.memory_space<vmem_shared>>
        tpu.enqueue_indirect_dma source(%arg12 : memref<128x128xf32, #tpu.memory_space<vmem>>) target(%dma_start3A_147 : memref<10240x128xf32, #tpu.memory_space<vmem_shared>>) offsets(%dma_start3A_144 : memref<128xi32, #tpu.memory_space<vmem>>) semaphore(%run_scoped3A_141 : memref<!tpu.dma_semaphore, #tpu.memory_space<semaphore_mem>>) {add = true}
        %dma_wait3A_148 = arith.constant 0 : i32
        %dma_wait3A_149 = tpu.memref_slice %arg10[%add3A_125, %dma_wait3A_148] : memref<40x128xi32, #tpu.memory_space<vmem>> -> memref<1x128xi32, #tpu.memory_space<vmem>>
        %dma_wait3A_150 = tpu.memref_squeeze %dma_wait3A_149 : memref<1x128xi32, #tpu.memory_space<vmem>> -> memref<128xi32, #tpu.memory_space<vmem>>
        %dma_wait3A_151 = arith.constant 0 : i32
        %dma_wait3A_152 = arith.constant 0 : i32
        %dma_wait3A_153 = tpu.memref_slice %arg13[%dma_wait3A_151, %dma_wait3A_152] : memref<10240x128xf32, #tpu.memory_space<vmem_shared>> -> memref<10240x128xf32, #tpu.memory_space<vmem_shared>>
        tpu.wait_indirect_dma semaphore(%run_scoped3A_141 : memref<!tpu.dma_semaphore, #tpu.memory_space<semaphore_mem>>) src(%arg12 : memref<128x128xf32, #tpu.memory_space<vmem>>) dst(%dma_wait3A_153 : memref<10240x128xf32, #tpu.memory_space<vmem_shared>>)
        tpu.yield
      }) : () -> ()
      %add3A_133 = arith.constant 2 : i32
      %add3A_134 = arith.addi %add3A_125, %add3A_133 : i32
      %dma_start3A_135 = arith.constant 0 : i32
      %dma_start3A_136 = tpu.memref_slice %arg9[%add3A_134, %dma_start3A_135] : memref<40x128xi32, #tpu.memory_space<vmem>> -> memref<1x128xi32, #tpu.memory_space<vmem>>
      %dma_start3A_137 = tpu.memref_squeeze %dma_start3A_136 : memref<1x128xi32, #tpu.memory_space<vmem>> -> memref<128xi32, #tpu.memory_space<vmem>>
      %dma_start3A_138 = arith.constant 0 : i32
      %dma_start3A_139 = arith.constant 0 : i32
      %dma_start3A_140 = tpu.memref_slice %arg4[%dma_start3A_138, %dma_start3A_139] : memref<270000x128xf32, #tpu.memory_space<hbm>> -> memref<270000x128xf32, #tpu.memory_space<hbm>>
      tpu.enqueue_indirect_dma source(%dma_start3A_140 : memref<270000x128xf32, #tpu.memory_space<hbm>>) target(%arg12 : memref<128x128xf32, #tpu.memory_space<vmem>>) offsets(%dma_start3A_137 : memref<128xi32, #tpu.memory_space<vmem>>) semaphore(%arg15 : memref<!tpu.dma_semaphore, #tpu.memory_space<semaphore_mem>>)
    }
    %scan3A_45 = arith.constant 19 : i32
    %dma_wait3A = arith.constant 0 : i32
    %dma_wait3A_46 = arith.constant 0 : i32
    %dma_wait3A_47 = tpu.memref_slice %arg9[%dma_wait3A, %dma_wait3A_46] : memref<40x128xi32, #tpu.memory_space<vmem>> -> memref<1x128xi32, #tpu.memory_space<vmem>>
    %dma_wait3A_48 = tpu.memref_squeeze %dma_wait3A_47 : memref<1x128xi32, #tpu.memory_space<vmem>> -> memref<128xi32, #tpu.memory_space<vmem>>
    %dma_wait3A_49 = arith.constant 0 : i32
    %dma_wait3A_50 = arith.constant 0 : i32
    %dma_wait3A_51 = tpu.memref_slice %arg4[%dma_wait3A_49, %dma_wait3A_50] : memref<270000x128xf32, #tpu.memory_space<hbm>> -> memref<270000x128xf32, #tpu.memory_space<hbm>>
    tpu.wait_indirect_dma semaphore(%arg14 : memref<!tpu.dma_semaphore, #tpu.memory_space<semaphore_mem>>) src(%dma_wait3A_51 : memref<270000x128xf32, #tpu.memory_space<hbm>>) dst(%arg11 : memref<128x128xf32, #tpu.memory_space<vmem>>)
    %run_scoped3A = arith.constant 38 : i32
    "tpu.region"() ({
      %run_scoped3A_104 = tpu.sem_alloc : memref<!tpu.dma_semaphore, #tpu.memory_space<semaphore_mem>>
      %dma_start3A_105 = arith.constant 0 : i32
      %dma_start3A_106 = tpu.memref_slice %arg10[%run_scoped3A, %dma_start3A_105] : memref<40x128xi32, #tpu.memory_space<vmem>> -> memref<1x128xi32, #tpu.memory_space<vmem>>
      %dma_start3A_107 = tpu.memref_squeeze %dma_start3A_106 : memref<1x128xi32, #tpu.memory_space<vmem>> -> memref<128xi32, #tpu.memory_space<vmem>>
      %dma_start3A_108 = arith.constant 0 : i32
      %dma_start3A_109 = arith.constant 0 : i32
      %dma_start3A_110 = tpu.memref_slice %arg13[%dma_start3A_108, %dma_start3A_109] : memref<10240x128xf32, #tpu.memory_space<vmem_shared>> -> memref<10240x128xf32, #tpu.memory_space<vmem_shared>>
      tpu.enqueue_indirect_dma source(%arg11 : memref<128x128xf32, #tpu.memory_space<vmem>>) target(%dma_start3A_110 : memref<10240x128xf32, #tpu.memory_space<vmem_shared>>) offsets(%dma_start3A_107 : memref<128xi32, #tpu.memory_space<vmem>>) semaphore(%run_scoped3A_104 : memref<!tpu.dma_semaphore, #tpu.memory_space<semaphore_mem>>) {add = true}
      %dma_wait3A_111 = arith.constant 0 : i32
      %dma_wait3A_112 = tpu.memref_slice %arg10[%run_scoped3A, %dma_wait3A_111] : memref<40x128xi32, #tpu.memory_space<vmem>> -> memref<1x128xi32, #tpu.memory_space<vmem>>
      %dma_wait3A_113 = tpu.memref_squeeze %dma_wait3A_112 : memref<1x128xi32, #tpu.memory_space<vmem>> -> memref<128xi32, #tpu.memory_space<vmem>>
      %dma_wait3A_114 = arith.constant 0 : i32
      %dma_wait3A_115 = arith.constant 0 : i32
      %dma_wait3A_116 = tpu.memref_slice %arg13[%dma_wait3A_114, %dma_wait3A_115] : memref<10240x128xf32, #tpu.memory_space<vmem_shared>> -> memref<10240x128xf32, #tpu.memory_space<vmem_shared>>
      tpu.wait_indirect_dma semaphore(%run_scoped3A_104 : memref<!tpu.dma_semaphore, #tpu.memory_space<semaphore_mem>>) src(%arg11 : memref<128x128xf32, #tpu.memory_space<vmem>>) dst(%dma_wait3A_116 : memref<10240x128xf32, #tpu.memory_space<vmem_shared>>)
      tpu.yield
    }) : () -> ()
    %dma_wait3A_52 = arith.constant 0 : i32
    %dma_wait3A_53 = arith.constant 0 : i32
    %dma_wait3A_54 = tpu.memref_slice %arg9[%dma_wait3A_52, %dma_wait3A_53] : memref<40x128xi32, #tpu.memory_space<vmem>> -> memref<1x128xi32, #tpu.memory_space<vmem>>
    %dma_wait3A_55 = tpu.memref_squeeze %dma_wait3A_54 : memref<1x128xi32, #tpu.memory_space<vmem>> -> memref<128xi32, #tpu.memory_space<vmem>>
    %dma_wait3A_56 = arith.constant 0 : i32
    %dma_wait3A_57 = arith.constant 0 : i32
    %dma_wait3A_58 = tpu.memref_slice %arg4[%dma_wait3A_56, %dma_wait3A_57] : memref<270000x128xf32, #tpu.memory_space<hbm>> -> memref<270000x128xf32, #tpu.memory_space<hbm>>
    tpu.wait_indirect_dma semaphore(%arg15 : memref<!tpu.dma_semaphore, #tpu.memory_space<semaphore_mem>>) src(%dma_wait3A_58 : memref<270000x128xf32, #tpu.memory_space<hbm>>) dst(%arg12 : memref<128x128xf32, #tpu.memory_space<vmem>>)
    %run_scoped3A_59 = arith.constant 39 : i32
    "tpu.region"() ({
      %run_scoped3A_104 = tpu.sem_alloc : memref<!tpu.dma_semaphore, #tpu.memory_space<semaphore_mem>>
      %dma_start3A_105 = arith.constant 0 : i32
      %dma_start3A_106 = tpu.memref_slice %arg10[%run_scoped3A_59, %dma_start3A_105] : memref<40x128xi32, #tpu.memory_space<vmem>> -> memref<1x128xi32, #tpu.memory_space<vmem>>
      %dma_start3A_107 = tpu.memref_squeeze %dma_start3A_106 : memref<1x128xi32, #tpu.memory_space<vmem>> -> memref<128xi32, #tpu.memory_space<vmem>>
      %dma_start3A_108 = arith.constant 0 : i32
      %dma_start3A_109 = arith.constant 0 : i32
      %dma_start3A_110 = tpu.memref_slice %arg13[%dma_start3A_108, %dma_start3A_109] : memref<10240x128xf32, #tpu.memory_space<vmem_shared>> -> memref<10240x128xf32, #tpu.memory_space<vmem_shared>>
      tpu.enqueue_indirect_dma source(%arg12 : memref<128x128xf32, #tpu.memory_space<vmem>>) target(%dma_start3A_110 : memref<10240x128xf32, #tpu.memory_space<vmem_shared>>) offsets(%dma_start3A_107 : memref<128xi32, #tpu.memory_space<vmem>>) semaphore(%run_scoped3A_104 : memref<!tpu.dma_semaphore, #tpu.memory_space<semaphore_mem>>) {add = true}
      %dma_wait3A_111 = arith.constant 0 : i32
      %dma_wait3A_112 = tpu.memref_slice %arg10[%run_scoped3A_59, %dma_wait3A_111] : memref<40x128xi32, #tpu.memory_space<vmem>> -> memref<1x128xi32, #tpu.memory_space<vmem>>
      %dma_wait3A_113 = tpu.memref_squeeze %dma_wait3A_112 : memref<1x128xi32, #tpu.memory_space<vmem>> -> memref<128xi32, #tpu.memory_space<vmem>>
      %dma_wait3A_114 = arith.constant 0 : i32
      %dma_wait3A_115 = arith.constant 0 : i32
      %dma_wait3A_116 = tpu.memref_slice %arg13[%dma_wait3A_114, %dma_wait3A_115] : memref<10240x128xf32, #tpu.memory_space<vmem_shared>> -> memref<10240x128xf32, #tpu.memory_space<vmem_shared>>
      tpu.wait_indirect_dma semaphore(%run_scoped3A_104 : memref<!tpu.dma_semaphore, #tpu.memory_space<semaphore_mem>>) src(%arg12 : memref<128x128xf32, #tpu.memory_space<vmem>>) dst(%dma_wait3A_116 : memref<10240x128xf32, #tpu.memory_space<vmem_shared>>)
      tpu.yield
    }) : () -> ()
    "tpu.region"() ({
      %run_scoped3A_104 = tpu.sem_alloc : memref<!tpu.dma_semaphore, #tpu.memory_space<semaphore_mem>>
      %dma_start3A_105 = arith.constant 40 : i32
      %dma_start3A_106 = arith.constant 0 : i32
      %dma_start3A_107 = tpu.memref_slice %arg2[%add3A, %dma_start3A_105, %dma_start3A_106] : memref<32x80x128xi32, #tpu.memory_space<hbm>> -> memref<1x40x128xi32, #tpu.memory_space<hbm>>
      %dma_start3A_108 = tpu.memref_squeeze %dma_start3A_107 : memref<1x40x128xi32, #tpu.memory_space<hbm>> -> memref<40x128xi32, #tpu.memory_space<hbm>>
      %dma_start3A_109 = arith.constant 40 : i32
      %dma_start3A_110 = arith.constant 0 : i32
      %dma_start3A_111 = tpu.memref_slice %arg2[%add3A, %dma_start3A_109, %dma_start3A_110] : memref<32x80x128xi32, #tpu.memory_space<hbm>> -> memref<1x40x128xi32, #tpu.memory_space<hbm>>
      %dma_start3A_112 = tpu.memref_squeeze %dma_start3A_111 : memref<1x40x128xi32, #tpu.memory_space<hbm>> -> memref<40x128xi32, #tpu.memory_space<hbm>>
      tpu.enqueue_dma source(%dma_start3A_112 : memref<40x128xi32, #tpu.memory_space<hbm>>) target(%arg9 : memref<40x128xi32, #tpu.memory_space<vmem>>) target_semaphore(%run_scoped3A_104 : memref<!tpu.dma_semaphore, #tpu.memory_space<semaphore_mem>>)
      %dma_wait3A_113 = arith.constant 40 : i32
      %dma_wait3A_114 = arith.constant 0 : i32
      %dma_wait3A_115 = tpu.memref_slice %arg2[%add3A, %dma_wait3A_113, %dma_wait3A_114] : memref<32x80x128xi32, #tpu.memory_space<hbm>> -> memref<1x40x128xi32, #tpu.memory_space<hbm>>
      %dma_wait3A_116 = tpu.memref_squeeze %dma_wait3A_115 : memref<1x40x128xi32, #tpu.memory_space<hbm>> -> memref<40x128xi32, #tpu.memory_space<hbm>>
      %dma_wait3A_117 = arith.constant 40 : i32
      %dma_wait3A_118 = arith.constant 0 : i32
      %dma_wait3A_119 = tpu.memref_slice %arg2[%add3A, %dma_wait3A_117, %dma_wait3A_118] : memref<32x80x128xi32, #tpu.memory_space<hbm>> -> memref<1x40x128xi32, #tpu.memory_space<hbm>>
      %dma_wait3A_120 = tpu.memref_squeeze %dma_wait3A_119 : memref<1x40x128xi32, #tpu.memory_space<hbm>> -> memref<40x128xi32, #tpu.memory_space<hbm>>
      tpu.wait_dma2 semaphore(%run_scoped3A_104 : memref<!tpu.dma_semaphore, #tpu.memory_space<semaphore_mem>>) src(%dma_wait3A_120 : memref<40x128xi32, #tpu.memory_space<hbm>>) dst(%arg9 : memref<40x128xi32, #tpu.memory_space<vmem>>)
      tpu.yield
    }) : () -> ()
    "tpu.region"() ({
      %run_scoped3A_104 = tpu.sem_alloc : memref<!tpu.dma_semaphore, #tpu.memory_space<semaphore_mem>>
      %dma_start3A_105 = arith.constant 40 : i32
      %dma_start3A_106 = arith.constant 0 : i32
      %dma_start3A_107 = tpu.memref_slice %arg3[%add3A, %dma_start3A_105, %dma_start3A_106] : memref<32x80x128xi32, #tpu.memory_space<hbm>> -> memref<1x40x128xi32, #tpu.memory_space<hbm>>
      %dma_start3A_108 = tpu.memref_squeeze %dma_start3A_107 : memref<1x40x128xi32, #tpu.memory_space<hbm>> -> memref<40x128xi32, #tpu.memory_space<hbm>>
      %dma_start3A_109 = arith.constant 40 : i32
      %dma_start3A_110 = arith.constant 0 : i32
      %dma_start3A_111 = tpu.memref_slice %arg3[%add3A, %dma_start3A_109, %dma_start3A_110] : memref<32x80x128xi32, #tpu.memory_space<hbm>> -> memref<1x40x128xi32, #tpu.memory_space<hbm>>
      %dma_start3A_112 = tpu.memref_squeeze %dma_start3A_111 : memref<1x40x128xi32, #tpu.memory_space<hbm>> -> memref<40x128xi32, #tpu.memory_space<hbm>>
      tpu.enqueue_dma source(%dma_start3A_112 : memref<40x128xi32, #tpu.memory_space<hbm>>) target(%arg10 : memref<40x128xi32, #tpu.memory_space<vmem>>) target_semaphore(%run_scoped3A_104 : memref<!tpu.dma_semaphore, #tpu.memory_space<semaphore_mem>>)
      %dma_wait3A_113 = arith.constant 40 : i32
      %dma_wait3A_114 = arith.constant 0 : i32
      %dma_wait3A_115 = tpu.memref_slice %arg3[%add3A, %dma_wait3A_113, %dma_wait3A_114] : memref<32x80x128xi32, #tpu.memory_space<hbm>> -> memref<1x40x128xi32, #tpu.memory_space<hbm>>
      %dma_wait3A_116 = tpu.memref_squeeze %dma_wait3A_115 : memref<1x40x128xi32, #tpu.memory_space<hbm>> -> memref<40x128xi32, #tpu.memory_space<hbm>>
      %dma_wait3A_117 = arith.constant 40 : i32
      %dma_wait3A_118 = arith.constant 0 : i32
      %dma_wait3A_119 = tpu.memref_slice %arg3[%add3A, %dma_wait3A_117, %dma_wait3A_118] : memref<32x80x128xi32, #tpu.memory_space<hbm>> -> memref<1x40x128xi32, #tpu.memory_space<hbm>>
      %dma_wait3A_120 = tpu.memref_squeeze %dma_wait3A_119 : memref<1x40x128xi32, #tpu.memory_space<hbm>> -> memref<40x128xi32, #tpu.memory_space<hbm>>
      tpu.wait_dma2 semaphore(%run_scoped3A_104 : memref<!tpu.dma_semaphore, #tpu.memory_space<semaphore_mem>>) src(%dma_wait3A_120 : memref<40x128xi32, #tpu.memory_space<hbm>>) dst(%arg10 : memref<40x128xi32, #tpu.memory_space<vmem>>)
      tpu.yield
    }) : () -> ()
    %dma_start3A_60 = arith.constant 0 : i32
    %dma_start3A_61 = arith.constant 0 : i32
    %dma_start3A_62 = tpu.memref_slice %arg9[%dma_start3A_60, %dma_start3A_61] : memref<40x128xi32, #tpu.memory_space<vmem>> -> memref<1x128xi32, #tpu.memory_space<vmem>>
    %dma_start3A_63 = tpu.memref_squeeze %dma_start3A_62 : memref<1x128xi32, #tpu.memory_space<vmem>> -> memref<128xi32, #tpu.memory_space<vmem>>
    %dma_start3A_64 = arith.constant 0 : i32
    %dma_start3A_65 = arith.constant 0 : i32
    %dma_start3A_66 = tpu.memref_slice %arg4[%dma_start3A_64, %dma_start3A_65] : memref<270000x128xf32, #tpu.memory_space<hbm>> -> memref<270000x128xf32, #tpu.memory_space<hbm>>
    tpu.enqueue_indirect_dma source(%dma_start3A_66 : memref<270000x128xf32, #tpu.memory_space<hbm>>) target(%arg11 : memref<128x128xf32, #tpu.memory_space<vmem>>) offsets(%dma_start3A_63 : memref<128xi32, #tpu.memory_space<vmem>>) semaphore(%arg14 : memref<!tpu.dma_semaphore, #tpu.memory_space<semaphore_mem>>)
    %dma_start3A_67 = arith.constant 1 : i32
    %dma_start3A_68 = arith.constant 0 : i32
    %dma_start3A_69 = tpu.memref_slice %arg9[%dma_start3A_67, %dma_start3A_68] : memref<40x128xi32, #tpu.memory_space<vmem>> -> memref<1x128xi32, #tpu.memory_space<vmem>>
    %dma_start3A_70 = tpu.memref_squeeze %dma_start3A_69 : memref<1x128xi32, #tpu.memory_space<vmem>> -> memref<128xi32, #tpu.memory_space<vmem>>
    %dma_start3A_71 = arith.constant 0 : i32
    %dma_start3A_72 = arith.constant 0 : i32
    %dma_start3A_73 = tpu.memref_slice %arg4[%dma_start3A_71, %dma_start3A_72] : memref<270000x128xf32, #tpu.memory_space<hbm>> -> memref<270000x128xf32, #tpu.memory_space<hbm>>
    tpu.enqueue_indirect_dma source(%dma_start3A_73 : memref<270000x128xf32, #tpu.memory_space<hbm>>) target(%arg12 : memref<128x128xf32, #tpu.memory_space<vmem>>) offsets(%dma_start3A_70 : memref<128xi32, #tpu.memory_space<vmem>>) semaphore(%arg15 : memref<!tpu.dma_semaphore, #tpu.memory_space<semaphore_mem>>)
    %scan3A_74 = arith.constant 0 : i32
    %scan3A_75 = arith.constant 0 : i32
    %scan3A_76 = arith.constant 19 : i32
    %scan3A_77 = arith.addi %scan3A_75, %scan3A_76 : i32
    %scan3A_78 = arith.constant 1 : i32
    scf.for %scan3A_104 = %scan3A_75 to %scan3A_77 step %scan3A_78  : i32 {
      %mul3A_105 = arith.constant 2 : i32
      %mul3A_106 = arith.muli %scan3A_104, %mul3A_105 : i32
      %add3A_107 = arith.constant 0 : i32
      %add3A_108 = arith.addi %mul3A_106, %add3A_107 : i32
      %dma_wait3A_109 = arith.constant 0 : i32
      %dma_wait3A_110 = arith.constant 0 : i32
      %dma_wait3A_111 = tpu.memref_slice %arg9[%dma_wait3A_109, %dma_wait3A_110] : memref<40x128xi32, #tpu.memory_space<vmem>> -> memref<1x128xi32, #tpu.memory_space<vmem>>
      %dma_wait3A_112 = tpu.memref_squeeze %dma_wait3A_111 : memref<1x128xi32, #tpu.memory_space<vmem>> -> memref<128xi32, #tpu.memory_space<vmem>>
      %dma_wait3A_113 = arith.constant 0 : i32
      %dma_wait3A_114 = arith.constant 0 : i32
      %dma_wait3A_115 = tpu.memref_slice %arg4[%dma_wait3A_113, %dma_wait3A_114] : memref<270000x128xf32, #tpu.memory_space<hbm>> -> memref<270000x128xf32, #tpu.memory_space<hbm>>
      tpu.wait_indirect_dma semaphore(%arg14 : memref<!tpu.dma_semaphore, #tpu.memory_space<semaphore_mem>>) src(%dma_wait3A_115 : memref<270000x128xf32, #tpu.memory_space<hbm>>) dst(%arg11 : memref<128x128xf32, #tpu.memory_space<vmem>>)
      "tpu.region"() ({
        %run_scoped3A_141 = tpu.sem_alloc : memref<!tpu.dma_semaphore, #tpu.memory_space<semaphore_mem>>
        %dma_start3A_142 = arith.constant 0 : i32
        %dma_start3A_143 = tpu.memref_slice %arg10[%add3A_108, %dma_start3A_142] : memref<40x128xi32, #tpu.memory_space<vmem>> -> memref<1x128xi32, #tpu.memory_space<vmem>>
        %dma_start3A_144 = tpu.memref_squeeze %dma_start3A_143 : memref<1x128xi32, #tpu.memory_space<vmem>> -> memref<128xi32, #tpu.memory_space<vmem>>
        %dma_start3A_145 = arith.constant 0 : i32
        %dma_start3A_146 = arith.constant 0 : i32
        %dma_start3A_147 = tpu.memref_slice %arg13[%dma_start3A_145, %dma_start3A_146] : memref<10240x128xf32, #tpu.memory_space<vmem_shared>> -> memref<10240x128xf32, #tpu.memory_space<vmem_shared>>
        tpu.enqueue_indirect_dma source(%arg11 : memref<128x128xf32, #tpu.memory_space<vmem>>) target(%dma_start3A_147 : memref<10240x128xf32, #tpu.memory_space<vmem_shared>>) offsets(%dma_start3A_144 : memref<128xi32, #tpu.memory_space<vmem>>) semaphore(%run_scoped3A_141 : memref<!tpu.dma_semaphore, #tpu.memory_space<semaphore_mem>>) {add = true}
        %dma_wait3A_148 = arith.constant 0 : i32
        %dma_wait3A_149 = tpu.memref_slice %arg10[%add3A_108, %dma_wait3A_148] : memref<40x128xi32, #tpu.memory_space<vmem>> -> memref<1x128xi32, #tpu.memory_space<vmem>>
        %dma_wait3A_150 = tpu.memref_squeeze %dma_wait3A_149 : memref<1x128xi32, #tpu.memory_space<vmem>> -> memref<128xi32, #tpu.memory_space<vmem>>
        %dma_wait3A_151 = arith.constant 0 : i32
        %dma_wait3A_152 = arith.constant 0 : i32
        %dma_wait3A_153 = tpu.memref_slice %arg13[%dma_wait3A_151, %dma_wait3A_152] : memref<10240x128xf32, #tpu.memory_space<vmem_shared>> -> memref<10240x128xf32, #tpu.memory_space<vmem_shared>>
        tpu.wait_indirect_dma semaphore(%run_scoped3A_141 : memref<!tpu.dma_semaphore, #tpu.memory_space<semaphore_mem>>) src(%arg11 : memref<128x128xf32, #tpu.memory_space<vmem>>) dst(%dma_wait3A_153 : memref<10240x128xf32, #tpu.memory_space<vmem_shared>>)
        tpu.yield
      }) : () -> ()
      %add3A_116 = arith.constant 2 : i32
      %add3A_117 = arith.addi %add3A_108, %add3A_116 : i32
      %dma_start3A_118 = arith.constant 0 : i32
      %dma_start3A_119 = tpu.memref_slice %arg9[%add3A_117, %dma_start3A_118] : memref<40x128xi32, #tpu.memory_space<vmem>> -> memref<1x128xi32, #tpu.memory_space<vmem>>
      %dma_start3A_120 = tpu.memref_squeeze %dma_start3A_119 : memref<1x128xi32, #tpu.memory_space<vmem>> -> memref<128xi32, #tpu.memory_space<vmem>>
      %dma_start3A_121 = arith.constant 0 : i32
      %dma_start3A_122 = arith.constant 0 : i32
      %dma_start3A_123 = tpu.memref_slice %arg4[%dma_start3A_121, %dma_start3A_122] : memref<270000x128xf32, #tpu.memory_space<hbm>> -> memref<270000x128xf32, #tpu.memory_space<hbm>>
      tpu.enqueue_indirect_dma source(%dma_start3A_123 : memref<270000x128xf32, #tpu.memory_space<hbm>>) target(%arg11 : memref<128x128xf32, #tpu.memory_space<vmem>>) offsets(%dma_start3A_120 : memref<128xi32, #tpu.memory_space<vmem>>) semaphore(%arg14 : memref<!tpu.dma_semaphore, #tpu.memory_space<semaphore_mem>>)
      %add3A_124 = arith.constant 1 : i32
      %add3A_125 = arith.addi %mul3A_106, %add3A_124 : i32
      %dma_wait3A_126 = arith.constant 0 : i32
      %dma_wait3A_127 = arith.constant 0 : i32
      %dma_wait3A_128 = tpu.memref_slice %arg9[%dma_wait3A_126, %dma_wait3A_127] : memref<40x128xi32, #tpu.memory_space<vmem>> -> memref<1x128xi32, #tpu.memory_space<vmem>>
      %dma_wait3A_129 = tpu.memref_squeeze %dma_wait3A_128 : memref<1x128xi32, #tpu.memory_space<vmem>> -> memref<128xi32, #tpu.memory_space<vmem>>
      %dma_wait3A_130 = arith.constant 0 : i32
      %dma_wait3A_131 = arith.constant 0 : i32
      %dma_wait3A_132 = tpu.memref_slice %arg4[%dma_wait3A_130, %dma_wait3A_131] : memref<270000x128xf32, #tpu.memory_space<hbm>> -> memref<270000x128xf32, #tpu.memory_space<hbm>>
      tpu.wait_indirect_dma semaphore(%arg15 : memref<!tpu.dma_semaphore, #tpu.memory_space<semaphore_mem>>) src(%dma_wait3A_132 : memref<270000x128xf32, #tpu.memory_space<hbm>>) dst(%arg12 : memref<128x128xf32, #tpu.memory_space<vmem>>)
      "tpu.region"() ({
        %run_scoped3A_141 = tpu.sem_alloc : memref<!tpu.dma_semaphore, #tpu.memory_space<semaphore_mem>>
        %dma_start3A_142 = arith.constant 0 : i32
        %dma_start3A_143 = tpu.memref_slice %arg10[%add3A_125, %dma_start3A_142] : memref<40x128xi32, #tpu.memory_space<vmem>> -> memref<1x128xi32, #tpu.memory_space<vmem>>
        %dma_start3A_144 = tpu.memref_squeeze %dma_start3A_143 : memref<1x128xi32, #tpu.memory_space<vmem>> -> memref<128xi32, #tpu.memory_space<vmem>>
        %dma_start3A_145 = arith.constant 0 : i32
        %dma_start3A_146 = arith.constant 0 : i32
        %dma_start3A_147 = tpu.memref_slice %arg13[%dma_start3A_145, %dma_start3A_146] : memref<10240x128xf32, #tpu.memory_space<vmem_shared>> -> memref<10240x128xf32, #tpu.memory_space<vmem_shared>>
        tpu.enqueue_indirect_dma source(%arg12 : memref<128x128xf32, #tpu.memory_space<vmem>>) target(%dma_start3A_147 : memref<10240x128xf32, #tpu.memory_space<vmem_shared>>) offsets(%dma_start3A_144 : memref<128xi32, #tpu.memory_space<vmem>>) semaphore(%run_scoped3A_141 : memref<!tpu.dma_semaphore, #tpu.memory_space<semaphore_mem>>) {add = true}
        %dma_wait3A_148 = arith.constant 0 : i32
        %dma_wait3A_149 = tpu.memref_slice %arg10[%add3A_125, %dma_wait3A_148] : memref<40x128xi32, #tpu.memory_space<vmem>> -> memref<1x128xi32, #tpu.memory_space<vmem>>
        %dma_wait3A_150 = tpu.memref_squeeze %dma_wait3A_149 : memref<1x128xi32, #tpu.memory_space<vmem>> -> memref<128xi32, #tpu.memory_space<vmem>>
        %dma_wait3A_151 = arith.constant 0 : i32
        %dma_wait3A_152 = arith.constant 0 : i32
        %dma_wait3A_153 = tpu.memref_slice %arg13[%dma_wait3A_151, %dma_wait3A_152] : memref<10240x128xf32, #tpu.memory_space<vmem_shared>> -> memref<10240x128xf32, #tpu.memory_space<vmem_shared>>
        tpu.wait_indirect_dma semaphore(%run_scoped3A_141 : memref<!tpu.dma_semaphore, #tpu.memory_space<semaphore_mem>>) src(%arg12 : memref<128x128xf32, #tpu.memory_space<vmem>>) dst(%dma_wait3A_153 : memref<10240x128xf32, #tpu.memory_space<vmem_shared>>)
        tpu.yield
      }) : () -> ()
      %add3A_133 = arith.constant 2 : i32
      %add3A_134 = arith.addi %add3A_125, %add3A_133 : i32
      %dma_start3A_135 = arith.constant 0 : i32
      %dma_start3A_136 = tpu.memref_slice %arg9[%add3A_134, %dma_start3A_135] : memref<40x128xi32, #tpu.memory_space<vmem>> -> memref<1x128xi32, #tpu.memory_space<vmem>>
      %dma_start3A_137 = tpu.memref_squeeze %dma_start3A_136 : memref<1x128xi32, #tpu.memory_space<vmem>> -> memref<128xi32, #tpu.memory_space<vmem>>
      %dma_start3A_138 = arith.constant 0 : i32
      %dma_start3A_139 = arith.constant 0 : i32
      %dma_start3A_140 = tpu.memref_slice %arg4[%dma_start3A_138, %dma_start3A_139] : memref<270000x128xf32, #tpu.memory_space<hbm>> -> memref<270000x128xf32, #tpu.memory_space<hbm>>
      tpu.enqueue_indirect_dma source(%dma_start3A_140 : memref<270000x128xf32, #tpu.memory_space<hbm>>) target(%arg12 : memref<128x128xf32, #tpu.memory_space<vmem>>) offsets(%dma_start3A_137 : memref<128xi32, #tpu.memory_space<vmem>>) semaphore(%arg15 : memref<!tpu.dma_semaphore, #tpu.memory_space<semaphore_mem>>)
    }
    %scan3A_79 = arith.constant 19 : i32
    %dma_wait3A_80 = arith.constant 0 : i32
    %dma_wait3A_81 = arith.constant 0 : i32
    %dma_wait3A_82 = tpu.memref_slice %arg9[%dma_wait3A_80, %dma_wait3A_81] : memref<40x128xi32, #tpu.memory_space<vmem>> -> memref<1x128xi32, #tpu.memory_space<vmem>>
    %dma_wait3A_83 = tpu.memref_squeeze %dma_wait3A_82 : memref<1x128xi32, #tpu.memory_space<vmem>> -> memref<128xi32, #tpu.memory_space<vmem>>
    %dma_wait3A_84 = arith.constant 0 : i32
    %dma_wait3A_85 = arith.constant 0 : i32
    %dma_wait3A_86 = tpu.memref_slice %arg4[%dma_wait3A_84, %dma_wait3A_85] : memref<270000x128xf32, #tpu.memory_space<hbm>> -> memref<270000x128xf32, #tpu.memory_space<hbm>>
    tpu.wait_indirect_dma semaphore(%arg14 : memref<!tpu.dma_semaphore, #tpu.memory_space<semaphore_mem>>) src(%dma_wait3A_86 : memref<270000x128xf32, #tpu.memory_space<hbm>>) dst(%arg11 : memref<128x128xf32, #tpu.memory_space<vmem>>)
    %run_scoped3A_87 = arith.constant 38 : i32
    "tpu.region"() ({
      %run_scoped3A_104 = tpu.sem_alloc : memref<!tpu.dma_semaphore, #tpu.memory_space<semaphore_mem>>
      %dma_start3A_105 = arith.constant 0 : i32
      %dma_start3A_106 = tpu.memref_slice %arg10[%run_scoped3A_87, %dma_start3A_105] : memref<40x128xi32, #tpu.memory_space<vmem>> -> memref<1x128xi32, #tpu.memory_space<vmem>>
      %dma_start3A_107 = tpu.memref_squeeze %dma_start3A_106 : memref<1x128xi32, #tpu.memory_space<vmem>> -> memref<128xi32, #tpu.memory_space<vmem>>
      %dma_start3A_108 = arith.constant 0 : i32
      %dma_start3A_109 = arith.constant 0 : i32
      %dma_start3A_110 = tpu.memref_slice %arg13[%dma_start3A_108, %dma_start3A_109] : memref<10240x128xf32, #tpu.memory_space<vmem_shared>> -> memref<10240x128xf32, #tpu.memory_space<vmem_shared>>
      tpu.enqueue_indirect_dma source(%arg11 : memref<128x128xf32, #tpu.memory_space<vmem>>) target(%dma_start3A_110 : memref<10240x128xf32, #tpu.memory_space<vmem_shared>>) offsets(%dma_start3A_107 : memref<128xi32, #tpu.memory_space<vmem>>) semaphore(%run_scoped3A_104 : memref<!tpu.dma_semaphore, #tpu.memory_space<semaphore_mem>>) {add = true}
      %dma_wait3A_111 = arith.constant 0 : i32
      %dma_wait3A_112 = tpu.memref_slice %arg10[%run_scoped3A_87, %dma_wait3A_111] : memref<40x128xi32, #tpu.memory_space<vmem>> -> memref<1x128xi32, #tpu.memory_space<vmem>>
      %dma_wait3A_113 = tpu.memref_squeeze %dma_wait3A_112 : memref<1x128xi32, #tpu.memory_space<vmem>> -> memref<128xi32, #tpu.memory_space<vmem>>
      %dma_wait3A_114 = arith.constant 0 : i32
      %dma_wait3A_115 = arith.constant 0 : i32
      %dma_wait3A_116 = tpu.memref_slice %arg13[%dma_wait3A_114, %dma_wait3A_115] : memref<10240x128xf32, #tpu.memory_space<vmem_shared>> -> memref<10240x128xf32, #tpu.memory_space<vmem_shared>>
      tpu.wait_indirect_dma semaphore(%run_scoped3A_104 : memref<!tpu.dma_semaphore, #tpu.memory_space<semaphore_mem>>) src(%arg11 : memref<128x128xf32, #tpu.memory_space<vmem>>) dst(%dma_wait3A_116 : memref<10240x128xf32, #tpu.memory_space<vmem_shared>>)
      tpu.yield
    }) : () -> ()
    %dma_wait3A_88 = arith.constant 0 : i32
    %dma_wait3A_89 = arith.constant 0 : i32
    %dma_wait3A_90 = tpu.memref_slice %arg9[%dma_wait3A_88, %dma_wait3A_89] : memref<40x128xi32, #tpu.memory_space<vmem>> -> memref<1x128xi32, #tpu.memory_space<vmem>>
    %dma_wait3A_91 = tpu.memref_squeeze %dma_wait3A_90 : memref<1x128xi32, #tpu.memory_space<vmem>> -> memref<128xi32, #tpu.memory_space<vmem>>
    %dma_wait3A_92 = arith.constant 0 : i32
    %dma_wait3A_93 = arith.constant 0 : i32
    %dma_wait3A_94 = tpu.memref_slice %arg4[%dma_wait3A_92, %dma_wait3A_93] : memref<270000x128xf32, #tpu.memory_space<hbm>> -> memref<270000x128xf32, #tpu.memory_space<hbm>>
    tpu.wait_indirect_dma semaphore(%arg15 : memref<!tpu.dma_semaphore, #tpu.memory_space<semaphore_mem>>) src(%dma_wait3A_94 : memref<270000x128xf32, #tpu.memory_space<hbm>>) dst(%arg12 : memref<128x128xf32, #tpu.memory_space<vmem>>)
    %run_scoped3A_95 = arith.constant 39 : i32
    "tpu.region"() ({
      %run_scoped3A_104 = tpu.sem_alloc : memref<!tpu.dma_semaphore, #tpu.memory_space<semaphore_mem>>
      %dma_start3A_105 = arith.constant 0 : i32
      %dma_start3A_106 = tpu.memref_slice %arg10[%run_scoped3A_95, %dma_start3A_105] : memref<40x128xi32, #tpu.memory_space<vmem>> -> memref<1x128xi32, #tpu.memory_space<vmem>>
      %dma_start3A_107 = tpu.memref_squeeze %dma_start3A_106 : memref<1x128xi32, #tpu.memory_space<vmem>> -> memref<128xi32, #tpu.memory_space<vmem>>
      %dma_start3A_108 = arith.constant 0 : i32
      %dma_start3A_109 = arith.constant 0 : i32
      %dma_start3A_110 = tpu.memref_slice %arg13[%dma_start3A_108, %dma_start3A_109] : memref<10240x128xf32, #tpu.memory_space<vmem_shared>> -> memref<10240x128xf32, #tpu.memory_space<vmem_shared>>
      tpu.enqueue_indirect_dma source(%arg12 : memref<128x128xf32, #tpu.memory_space<vmem>>) target(%dma_start3A_110 : memref<10240x128xf32, #tpu.memory_space<vmem_shared>>) offsets(%dma_start3A_107 : memref<128xi32, #tpu.memory_space<vmem>>) semaphore(%run_scoped3A_104 : memref<!tpu.dma_semaphore, #tpu.memory_space<semaphore_mem>>) {add = true}
      %dma_wait3A_111 = arith.constant 0 : i32
      %dma_wait3A_112 = tpu.memref_slice %arg10[%run_scoped3A_95, %dma_wait3A_111] : memref<40x128xi32, #tpu.memory_space<vmem>> -> memref<1x128xi32, #tpu.memory_space<vmem>>
      %dma_wait3A_113 = tpu.memref_squeeze %dma_wait3A_112 : memref<1x128xi32, #tpu.memory_space<vmem>> -> memref<128xi32, #tpu.memory_space<vmem>>
      %dma_wait3A_114 = arith.constant 0 : i32
      %dma_wait3A_115 = arith.constant 0 : i32
      %dma_wait3A_116 = tpu.memref_slice %arg13[%dma_wait3A_114, %dma_wait3A_115] : memref<10240x128xf32, #tpu.memory_space<vmem_shared>> -> memref<10240x128xf32, #tpu.memory_space<vmem_shared>>
      tpu.wait_indirect_dma semaphore(%run_scoped3A_104 : memref<!tpu.dma_semaphore, #tpu.memory_space<semaphore_mem>>) src(%arg12 : memref<128x128xf32, #tpu.memory_space<vmem>>) dst(%dma_wait3A_116 : memref<10240x128xf32, #tpu.memory_space<vmem_shared>>)
      tpu.yield
    }) : () -> ()
    %barrier3A_96 = arith.constant 0 : index
    tpu.barrier barrier_id(%barrier3A_96)
    %mul3A_97 = arith.constant 640 : i32
    %mul3A_98 = arith.muli %arg1, %mul3A_97 : i32
    %mul3A_99 = arith.constant 10240 : i32
    %mul3A_100 = arith.muli %arg0, %mul3A_99 : i32
    %mul3A_101 = arith.constant 640 : i32
    %mul3A_102 = arith.muli %arg1, %mul3A_101 : i32
    %add3A_103 = arith.addi %mul3A_100, %mul3A_102 : i32
    "tpu.region"() ({
      %run_scoped3A_104 = tpu.sem_alloc : memref<!tpu.dma_semaphore, #tpu.memory_space<semaphore_mem>>
      %dma_start3A_105 = arith.constant 0 : i32
      %dma_start3A_106 = tpu.memref_slice %arg5[%add3A_103, %dma_start3A_105] : memref<20480x128xf32, #tpu.memory_space<hbm>> -> memref<640x128xf32, #tpu.memory_space<hbm>>
      %dma_start3A_107 = arith.constant 0 : i32
      %dma_start3A_108 = tpu.memref_slice %arg13[%mul3A_98, %dma_start3A_107] : memref<10240x128xf32, #tpu.memory_space<vmem_shared>> -> memref<640x128xf32, #tpu.memory_space<vmem_shared>>
      tpu.enqueue_dma source(%dma_start3A_108 : memref<640x128xf32, #tpu.memory_space<vmem_shared>>) target(%dma_start3A_106 : memref<640x128xf32, #tpu.memory_space<hbm>>) target_semaphore(%run_scoped3A_104 : memref<!tpu.dma_semaphore, #tpu.memory_space<semaphore_mem>>)
      %dma_wait3A_109 = arith.constant 0 : i32
      %dma_wait3A_110 = tpu.memref_slice %arg5[%add3A_103, %dma_wait3A_109] : memref<20480x128xf32, #tpu.memory_space<hbm>> -> memref<640x128xf32, #tpu.memory_space<hbm>>
      %dma_wait3A_111 = arith.constant 0 : i32
      %dma_wait3A_112 = tpu.memref_slice %arg13[%mul3A_98, %dma_wait3A_111] : memref<10240x128xf32, #tpu.memory_space<vmem_shared>> -> memref<640x128xf32, #tpu.memory_space<vmem_shared>>
      tpu.wait_dma2 semaphore(%run_scoped3A_104 : memref<!tpu.dma_semaphore, #tpu.memory_space<semaphore_mem>>) src(%dma_wait3A_112 : memref<640x128xf32, #tpu.memory_space<vmem_shared>>) dst(%dma_wait3A_110 : memref<640x128xf32, #tpu.memory_space<hbm>>)
      tpu.yield
    }) : () -> ()
    return
  }
}

module attributes {stable_mosaic.version = 14 : i64} {
  func.func @_mm1_body(%arg0: i32, %arg1: i32, %arg2: memref<2000x128xf32, #tpu.memory_space<vmem>>, %arg3: memref<1x128x128xf32, #tpu.memory_space<vmem>>, %arg4: memref<1x2000x128xf32, #tpu.memory_space<vmem>>) attributes {dimension_semantics = [#tpu.dimension_semantics<arbitrary>, #tpu.dimension_semantics<arbitrary>], iteration_bounds = array<i64: 5, 27>, scalar_prefetch = 0 : i64, scratch_operands = 0 : i64, tpu.core_type = #tpu.core_type<tc>, window_params = [{transform_indices = @transform_0, window_bounds = array<i64: 2000, 128>}, {transform_indices = @transform_1, window_bounds = array<i64: 1, 128, 128>}, {transform_indices = @transform_2, window_bounds = array<i64: 1, 2000, 128>}]} {
    %get3A = arith.constant 0 : index
    %get3A_0 = arith.constant 0 : index
    %get3A_1 = vector.load %arg2[%get3A, %get3A_0] : memref<2000x128xf32, #tpu.memory_space<vmem>>, vector<2000x128xf32>
    %get3A_2 = arith.constant 0 : index
    %get3A_3 = arith.constant 0 : index
    %get3A_4 = arith.constant 0 : index
    %get3A_5 = vector.load %arg3[%get3A_2, %get3A_3, %get3A_4] : memref<1x128x128xf32, #tpu.memory_space<vmem>>, vector<1x128x128xf32>
    %get3A_6 = vector.shape_cast %get3A_5 : vector<1x128x128xf32> to vector<128x128xf32>
    %dot_general3A = arith.constant dense<0.000000e+00> : vector<2000x128xf32>
    %dot_general3A_7 = tpu.matmul %get3A_1, %get3A_6, %dot_general3A {dimension_numbers = #tpu.dot_dimension_numbers<[1], [0], [0], [1], [0, 0, 1, 1], [], []>, transpose_lhs_hint = false} : vector<2000x128xf32>, vector<128x128xf32>, vector<2000x128xf32> -> vector<2000x128xf32>
    %swap3A = arith.constant 0 : index
    %swap3A_8 = arith.constant 0 : index
    %swap3A_9 = arith.constant 0 : index
    %swap3A_10 = vector.load %arg4[%swap3A, %swap3A_8, %swap3A_9] : memref<1x2000x128xf32, #tpu.memory_space<vmem>>, vector<1x2000x128xf32>
    %swap3A_11 = vector.shape_cast %swap3A_10 : vector<1x2000x128xf32> to vector<2000x128xf32>
    %swap3A_12 = vector.shape_cast %dot_general3A_7 : vector<2000x128xf32> to vector<1x2000x128xf32>
    tpu.vector_store %arg4[%swap3A, %swap3A_8, %swap3A_9], %swap3A_12 {strides = array<i32>} : memref<1x2000x128xf32, #tpu.memory_space<vmem>>, vector<1x2000x128xf32>,
    return
  }
  func.func @transform_0(%arg0: i32, %arg1: i32) -> (i32, i32) {
    %c0_i32 = arith.constant 0 : i32
    %c0_i32_0 = arith.constant 0 : i32
    return %arg0, %c0_i32 : i32, i32
  }
  func.func @transform_1(%arg0: i32, %arg1: i32) -> (i32, i32, i32) {
    %c0_i32 = arith.constant 0 : i32
    %c0_i32_0 = arith.constant 0 : i32
    %c0_i32_1 = arith.constant 0 : i32
    return %arg1, %c0_i32, %c0_i32_0 : i32, i32, i32
  }
  func.func @transform_2(%arg0: i32, %arg1: i32) -> (i32, i32, i32) {
    %c0_i32 = arith.constant 0 : i32
    %c0_i32_0 = arith.constant 0 : i32
    return %arg1, %arg0, %c0_i32 : i32, i32, i32
  }
}

module attributes {stable_mosaic.version = 14 : i64} {
  func.func @_stats_body(%arg0: i32, %arg1: memref<1x2000x128xf32, #tpu.memory_space<vmem>>, %arg2: memref<1x2000x128xf32, #tpu.memory_space<vmem>>, %arg3: memref<1x128xf32, #tpu.memory_space<vmem>>, %arg4: memref<1x128xf32, #tpu.memory_space<vmem>>) attributes {dimension_semantics = [#tpu.dimension_semantics<arbitrary>], iteration_bounds = array<i64: 5>, scalar_prefetch = 0 : i64, scratch_operands = 0 : i64, tpu.core_type = #tpu.core_type<tc>, window_params = [{transform_indices = @transform_0, window_bounds = array<i64: 1, 2000, 128>}, {transform_indices = @transform_1, window_bounds = array<i64: 1, 2000, 128>}, {pipeline_mode = #tpu.pipeline_mode<synchronous>, transform_indices = @transform_2, window_bounds = array<i64: 1, 128>}, {pipeline_mode = #tpu.pipeline_mode<synchronous>, transform_indices = @transform_3, window_bounds = array<i64: 1, 128>}]} {
    %get3A = arith.constant 0 : index
    %get3A_0 = arith.constant 0 : index
    %get3A_1 = arith.constant 0 : index
    %get3A_2 = vector.load %arg1[%get3A, %get3A_0, %get3A_1] : memref<1x2000x128xf32, #tpu.memory_space<vmem>>, vector<1x2000x128xf32>
    %get3A_3 = vector.shape_cast %get3A_2 : vector<1x2000x128xf32> to vector<2000x128xf32>
    %get3A_4 = arith.constant 0 : index
    %get3A_5 = arith.constant 0 : index
    %get3A_6 = arith.constant 0 : index
    %get3A_7 = vector.load %arg2[%get3A_4, %get3A_5, %get3A_6] : memref<1x2000x128xf32, #tpu.memory_space<vmem>>, vector<1x2000x128xf32>
    %get3A_8 = vector.shape_cast %get3A_7 : vector<1x2000x128xf32> to vector<2000x128xf32>
    %add3A = arith.addf %get3A_3, %get3A_8 : vector<2000x128xf32>
    %eq3A = arith.constant 0 : i32
    %eq3A_9 = arith.cmpi eq, %arg0, %eq3A : i32
    %convert_element_type3A = arith.extui %eq3A_9 : i1 to i32
    %cond3A = arith.constant 0 : i32
    %cond3A_10 = arith.cmpi ne, %convert_element_type3A, %cond3A : i32
    scf.if %cond3A_10 {
      %broadcast_in_dim3A_28 = arith.constant 0.000000e+00 : f32
      %broadcast_in_dim3A_29 = vector.broadcast %broadcast_in_dim3A_28 : f32 to vector<1x128xf32>
      %swap3A_30 = arith.constant 0 : index
      %swap3A_31 = arith.constant 0 : index
      %swap3A_32 = vector.load %arg3[%swap3A_30, %swap3A_31] : memref<1x128xf32, #tpu.memory_space<vmem>>, vector<1x128xf32>
      tpu.vector_store %arg3[%swap3A_30, %swap3A_31], %broadcast_in_dim3A_29 {strides = array<i32>} : memref<1x128xf32, #tpu.memory_space<vmem>>, vector<1x128xf32>,
      %broadcast_in_dim3A_33 = arith.constant 0.000000e+00 : f32
      %broadcast_in_dim3A_34 = vector.broadcast %broadcast_in_dim3A_33 : f32 to vector<1x128xf32>
      %swap3A_35 = arith.constant 0 : index
      %swap3A_36 = arith.constant 0 : index
      %swap3A_37 = vector.load %arg4[%swap3A_35, %swap3A_36] : memref<1x128xf32, #tpu.memory_space<vmem>>, vector<1x128xf32>
      tpu.vector_store %arg4[%swap3A_35, %swap3A_36], %broadcast_in_dim3A_34 {strides = array<i32>} : memref<1x128xf32, #tpu.memory_space<vmem>>, vector<1x128xf32>,
    } else {
    }
    %get3A_11 = arith.constant 0 : index
    %get3A_12 = arith.constant 0 : index
    %get3A_13 = vector.load %arg3[%get3A_11, %get3A_12] : memref<1x128xf32, #tpu.memory_space<vmem>>, vector<1x128xf32>
    %reduce_sum3A = arith.constant dense<0.000000e+00> : vector<128xf32>
    %reduce_sum3A_14 = vector.multi_reduction <add>, %add3A, %reduce_sum3A [0] : vector<2000x128xf32> to vector<128xf32>
    %broadcast_in_dim3A = vector.shape_cast %reduce_sum3A_14 : vector<128xf32> to vector<1x128xf32>
    %add3A_15 = arith.addf %get3A_13, %broadcast_in_dim3A : vector<1x128xf32>
    %swap3A = arith.constant 0 : index
    %swap3A_16 = arith.constant 0 : index
    %swap3A_17 = vector.load %arg3[%swap3A, %swap3A_16] : memref<1x128xf32, #tpu.memory_space<vmem>>, vector<1x128xf32>
    tpu.vector_store %arg3[%swap3A, %swap3A_16], %add3A_15 {strides = array<i32>} : memref<1x128xf32, #tpu.memory_space<vmem>>, vector<1x128xf32>,
    %get3A_18 = arith.constant 0 : index
    %get3A_19 = arith.constant 0 : index
    %get3A_20 = vector.load %arg4[%get3A_18, %get3A_19] : memref<1x128xf32, #tpu.memory_space<vmem>>, vector<1x128xf32>
    %mul3A = arith.mulf %add3A, %add3A : vector<2000x128xf32>
    %reduce_sum3A_21 = arith.constant dense<0.000000e+00> : vector<128xf32>
    %reduce_sum3A_22 = vector.multi_reduction <add>, %mul3A, %reduce_sum3A_21 [0] : vector<2000x128xf32> to vector<128xf32>
    %broadcast_in_dim3A_23 = vector.shape_cast %reduce_sum3A_22 : vector<128xf32> to vector<1x128xf32>
    %add3A_24 = arith.addf %get3A_20, %broadcast_in_dim3A_23 : vector<1x128xf32>
    %swap3A_25 = arith.constant 0 : index
    %swap3A_26 = arith.constant 0 : index
    %swap3A_27 = vector.load %arg4[%swap3A_25, %swap3A_26] : memref<1x128xf32, #tpu.memory_space<vmem>>, vector<1x128xf32>
    tpu.vector_store %arg4[%swap3A_25, %swap3A_26], %add3A_24 {strides = array<i32>} : memref<1x128xf32, #tpu.memory_space<vmem>>, vector<1x128xf32>,
    return
  }
  func.func @transform_0(%arg0: i32) -> (i32, i32, i32) {
    %c0_i32 = arith.constant 0 : i32
    %c0_i32_0 = arith.constant 0 : i32
    %c0_i32_1 = arith.constant 0 : i32
    return %c0_i32, %arg0, %c0_i32_0 : i32, i32, i32
  }
  func.func @transform_1(%arg0: i32) -> (i32, i32, i32) {
    %c1_i32 = arith.constant 1 : i32
    %c0_i32 = arith.constant 0 : i32
    %c0_i32_0 = arith.constant 0 : i32
    return %c1_i32, %arg0, %c0_i32 : i32, i32, i32
  }
  func.func @transform_2(%arg0: i32) -> (i32, i32) {
    %c0_i32 = arith.constant 0 : i32
    %c0_i32_0 = arith.constant 0 : i32
    %c0_i32_1 = arith.constant 0 : i32
    return %c0_i32, %c0_i32_0 : i32, i32
  }
  func.func @transform_3(%arg0: i32) -> (i32, i32) {
    %c0_i32 = arith.constant 0 : i32
    %c0_i32_0 = arith.constant 0 : i32
    %c0_i32_1 = arith.constant 0 : i32
    return %c0_i32, %c0_i32_0 : i32, i32
  }
}

module attributes {stable_mosaic.version = 14 : i64} {
  func.func @_mm2_body(%arg0: i32, %arg1: i32, %arg2: memref<1x2000x128xf32, #tpu.memory_space<vmem>>, %arg3: memref<1x2000x128xf32, #tpu.memory_space<vmem>>, %arg4: memref<1x128xf32, #tpu.memory_space<vmem>>, %arg5: memref<1x128xf32, #tpu.memory_space<vmem>>, %arg6: memref<1x128xf32, #tpu.memory_space<vmem>>, %arg7: memref<1x128xf32, #tpu.memory_space<vmem>>, %arg8: memref<1x128x128xf32, #tpu.memory_space<vmem>>, %arg9: memref<1x2000x128xf32, #tpu.memory_space<vmem>>) attributes {dimension_semantics = [#tpu.dimension_semantics<arbitrary>, #tpu.dimension_semantics<arbitrary>], iteration_bounds = array<i64: 5, 27>, scalar_prefetch = 0 : i64, scratch_operands = 0 : i64, tpu.core_type = #tpu.core_type<tc>, window_params = [{transform_indices = @transform_0, window_bounds = array<i64: 1, 2000, 128>}, {transform_indices = @transform_1, window_bounds = array<i64: 1, 2000, 128>}, {pipeline_mode = #tpu.pipeline_mode<synchronous>, transform_indices = @transform_2, window_bounds = array<i64: 1, 128>}, {pipeline_mode = #tpu.pipeline_mode<synchronous>, transform_indices = @transform_3, window_bounds = array<i64: 1, 128>}, {pipeline_mode = #tpu.pipeline_mode<synchronous>, transform_indices = @transform_4, window_bounds = array<i64: 1, 128>}, {pipeline_mode = #tpu.pipeline_mode<synchronous>, transform_indices = @transform_5, window_bounds = array<i64: 1, 128>}, {transform_indices = @transform_6, window_bounds = array<i64: 1, 128, 128>}, {transform_indices = @transform_7, window_bounds = array<i64: 1, 2000, 128>}]} {
    %get3A = arith.constant 0 : index
    %get3A_0 = arith.constant 0 : index
    %get3A_1 = vector.load %arg4[%get3A, %get3A_0] : memref<1x128xf32, #tpu.memory_space<vmem>>, vector<1x128xf32>
    %get3A_2 = vector.shape_cast %get3A_1 : vector<1x128xf32> to vector<128xf32>
    %mul3A = arith.constant 9.99999974E-5 : f32
    %mul3A_3 = vector.broadcast %mul3A : f32 to vector<128xf32>
    %mul3A_4 = arith.mulf %get3A_2, %mul3A_3 : vector<128xf32>
    %get3A_5 = arith.constant 0 : index
    %get3A_6 = arith.constant 0 : index
    %get3A_7 = vector.load %arg5[%get3A_5, %get3A_6] : memref<1x128xf32, #tpu.memory_space<vmem>>, vector<1x128xf32>
    %get3A_8 = vector.shape_cast %get3A_7 : vector<1x128xf32> to vector<128xf32>
    %mul3A_9 = arith.constant 9.99999974E-5 : f32
    %mul3A_10 = vector.broadcast %mul3A_9 : f32 to vector<128xf32>
    %mul3A_11 = arith.mulf %get3A_8, %mul3A_10 : vector<128xf32>
    %mul3A_12 = arith.mulf %mul3A_4, %mul3A_4 : vector<128xf32>
    %sub3A = arith.subf %mul3A_11, %mul3A_12 : vector<128xf32>
    %add3A = arith.constant 9.99999974E-6 : f32
    %add3A_13 = vector.broadcast %add3A : f32 to vector<128xf32>
    %add3A_14 = arith.addf %sub3A, %add3A_13 : vector<128xf32>
    %rsqrt3A = math.rsqrt %add3A_14 : vector<128xf32>
    %get3A_15 = arith.constant 0 : index
    %get3A_16 = arith.constant 0 : index
    %get3A_17 = vector.load %arg6[%get3A_15, %get3A_16] : memref<1x128xf32, #tpu.memory_space<vmem>>, vector<1x128xf32>
    %get3A_18 = vector.shape_cast %get3A_17 : vector<1x128xf32> to vector<128xf32>
    %mul3A_19 = arith.mulf %rsqrt3A, %get3A_18 : vector<128xf32>
    %get3A_20 = arith.constant 0 : index
    %get3A_21 = arith.constant 0 : index
    %get3A_22 = arith.constant 0 : index
    %get3A_23 = vector.load %arg2[%get3A_20, %get3A_21, %get3A_22] : memref<1x2000x128xf32, #tpu.memory_space<vmem>>, vector<1x2000x128xf32>
    %get3A_24 = vector.shape_cast %get3A_23 : vector<1x2000x128xf32> to vector<2000x128xf32>
    %get3A_25 = arith.constant 0 : index
    %get3A_26 = arith.constant 0 : index
    %get3A_27 = arith.constant 0 : index
    %get3A_28 = vector.load %arg3[%get3A_25, %get3A_26, %get3A_27] : memref<1x2000x128xf32, #tpu.memory_space<vmem>>, vector<1x2000x128xf32>
    %get3A_29 = vector.shape_cast %get3A_28 : vector<1x2000x128xf32> to vector<2000x128xf32>
    %add3A_30 = arith.addf %get3A_24, %get3A_29 : vector<2000x128xf32>
    %broadcast_in_dim3A = vector.shape_cast %mul3A_4 : vector<128xf32> to vector<1x128xf32>
    %sub3A_31 = vector.broadcast %broadcast_in_dim3A : vector<1x128xf32> to vector<2000x128xf32>
    %sub3A_32 = arith.subf %add3A_30, %sub3A_31 : vector<2000x128xf32>
    %broadcast_in_dim3A_33 = vector.shape_cast %mul3A_19 : vector<128xf32> to vector<1x128xf32>
    %mul3A_34 = vector.broadcast %broadcast_in_dim3A_33 : vector<1x128xf32> to vector<2000x128xf32>
    %mul3A_35 = arith.mulf %sub3A_32, %mul3A_34 : vector<2000x128xf32>
    %get3A_36 = arith.constant 0 : index
    %get3A_37 = arith.constant 0 : index
    %get3A_38 = vector.load %arg7[%get3A_36, %get3A_37] : memref<1x128xf32, #tpu.memory_space<vmem>>, vector<1x128xf32>
    %get3A_39 = vector.shape_cast %get3A_38 : vector<1x128xf32> to vector<128xf32>
    %broadcast_in_dim3A_40 = vector.shape_cast %get3A_39 : vector<128xf32> to vector<1x128xf32>
    %add3A_41 = vector.broadcast %broadcast_in_dim3A_40 : vector<1x128xf32> to vector<2000x128xf32>
    %add3A_42 = arith.addf %mul3A_35, %add3A_41 : vector<2000x128xf32>
    %max3A = arith.constant 0.000000e+00 : f32
    %max3A_43 = vector.broadcast %max3A : f32 to vector<2000x128xf32>
    %max3A_44 = arith.maximumf %add3A_42, %max3A_43 : vector<2000x128xf32>
    %get3A_45 = arith.constant 0 : index
    %get3A_46 = arith.constant 0 : index
    %get3A_47 = arith.constant 0 : index
    %get3A_48 = vector.load %arg8[%get3A_45, %get3A_46, %get3A_47] : memref<1x128x128xf32, #tpu.memory_space<vmem>>, vector<1x128x128xf32>
    %get3A_49 = vector.shape_cast %get3A_48 : vector<1x128x128xf32> to vector<128x128xf32>
    %dot_general3A = arith.constant dense<0.000000e+00> : vector<2000x128xf32>
    %dot_general3A_50 = tpu.matmul %max3A_44, %get3A_49, %dot_general3A {dimension_numbers = #tpu.dot_dimension_numbers<[1], [0], [0], [1], [0, 0, 1, 1], [], []>, transpose_lhs_hint = false} : vector<2000x128xf32>, vector<128x128xf32>, vector<2000x128xf32> -> vector<2000x128xf32>
    %swap3A = arith.constant 0 : index
    %swap3A_51 = arith.constant 0 : index
    %swap3A_52 = arith.constant 0 : index
    %swap3A_53 = vector.load %arg9[%swap3A, %swap3A_51, %swap3A_52] : memref<1x2000x128xf32, #tpu.memory_space<vmem>>, vector<1x2000x128xf32>
    %swap3A_54 = vector.shape_cast %swap3A_53 : vector<1x2000x128xf32> to vector<2000x128xf32>
    %swap3A_55 = vector.shape_cast %dot_general3A_50 : vector<2000x128xf32> to vector<1x2000x128xf32>
    tpu.vector_store %arg9[%swap3A, %swap3A_51, %swap3A_52], %swap3A_55 {strides = array<i32>} : memref<1x2000x128xf32, #tpu.memory_space<vmem>>, vector<1x2000x128xf32>,
    return
  }
  func.func @transform_0(%arg0: i32, %arg1: i32) -> (i32, i32, i32) {
    %c0_i32 = arith.constant 0 : i32
    %c0_i32_0 = arith.constant 0 : i32
    %c0_i32_1 = arith.constant 0 : i32
    return %c0_i32, %arg0, %c0_i32_0 : i32, i32, i32
  }
  func.func @transform_1(%arg0: i32, %arg1: i32) -> (i32, i32, i32) {
    %c1_i32 = arith.constant 1 : i32
    %c0_i32 = arith.constant 0 : i32
    %c0_i32_0 = arith.constant 0 : i32
    return %c1_i32, %arg0, %c0_i32 : i32, i32, i32
  }
  func.func @transform_2(%arg0: i32, %arg1: i32) -> (i32, i32) {
    %c0_i32 = arith.constant 0 : i32
    %c0_i32_0 = arith.constant 0 : i32
    %c0_i32_1 = arith.constant 0 : i32
    return %c0_i32, %c0_i32_0 : i32, i32
  }
  func.func @transform_3(%arg0: i32, %arg1: i32) -> (i32, i32) {
    %c0_i32 = arith.constant 0 : i32
    %c0_i32_0 = arith.constant 0 : i32
    %c0_i32_1 = arith.constant 0 : i32
    return %c0_i32, %c0_i32_0 : i32, i32
  }
  func.func @transform_4(%arg0: i32, %arg1: i32) -> (i32, i32) {
    %c0_i32 = arith.constant 0 : i32
    %c0_i32_0 = arith.constant 0 : i32
    %c0_i32_1 = arith.constant 0 : i32
    return %c0_i32, %c0_i32_0 : i32, i32
  }
  func.func @transform_5(%arg0: i32, %arg1: i32) -> (i32, i32) {
    %c0_i32 = arith.constant 0 : i32
    %c0_i32_0 = arith.constant 0 : i32
    %c0_i32_1 = arith.constant 0 : i32
    return %c0_i32, %c0_i32_0 : i32, i32
  }
  func.func @transform_6(%arg0: i32, %arg1: i32) -> (i32, i32, i32) {
    %c0_i32 = arith.constant 0 : i32
    %c0_i32_0 = arith.constant 0 : i32
    %c0_i32_1 = arith.constant 0 : i32
    return %arg1, %c0_i32, %c0_i32_0 : i32, i32, i32
  }
  func.func @transform_7(%arg0: i32, %arg1: i32) -> (i32, i32, i32) {
    %c0_i32 = arith.constant 0 : i32
    %c0_i32_0 = arith.constant 0 : i32
    return %arg1, %arg0, %c0_i32 : i32, i32, i32
  }
}

module attributes {stable_mosaic.version = 14 : i64} {
  func.func @_fin_body(%arg0: i32, %arg1: memref<1x2000x128xf32, #tpu.memory_space<vmem>>, %arg2: memref<1x2000x128xf32, #tpu.memory_space<vmem>>, %arg3: memref<1x128xf32, #tpu.memory_space<vmem>>, %arg4: memref<1x128xf32, #tpu.memory_space<vmem>>, %arg5: memref<1x128xf32, #tpu.memory_space<vmem>>, %arg6: memref<1x128xf32, #tpu.memory_space<vmem>>, %arg7: memref<2000x128xf32, #tpu.memory_space<vmem>>, %arg8: memref<2000x128xf32, #tpu.memory_space<vmem>>) attributes {dimension_semantics = [#tpu.dimension_semantics<arbitrary>], iteration_bounds = array<i64: 5>, scalar_prefetch = 0 : i64, scratch_operands = 0 : i64, tpu.core_type = #tpu.core_type<tc>, window_params = [{transform_indices = @transform_0, window_bounds = array<i64: 1, 2000, 128>}, {transform_indices = @transform_1, window_bounds = array<i64: 1, 2000, 128>}, {pipeline_mode = #tpu.pipeline_mode<synchronous>, transform_indices = @transform_2, window_bounds = array<i64: 1, 128>}, {pipeline_mode = #tpu.pipeline_mode<synchronous>, transform_indices = @transform_3, window_bounds = array<i64: 1, 128>}, {pipeline_mode = #tpu.pipeline_mode<synchronous>, transform_indices = @transform_4, window_bounds = array<i64: 1, 128>}, {pipeline_mode = #tpu.pipeline_mode<synchronous>, transform_indices = @transform_5, window_bounds = array<i64: 1, 128>}, {transform_indices = @transform_6, window_bounds = array<i64: 2000, 128>}, {transform_indices = @transform_7, window_bounds = array<i64: 2000, 128>}]} {
    %get3A = arith.constant 0 : index
    %get3A_0 = arith.constant 0 : index
    %get3A_1 = vector.load %arg3[%get3A, %get3A_0] : memref<1x128xf32, #tpu.memory_space<vmem>>, vector<1x128xf32>
    %get3A_2 = vector.shape_cast %get3A_1 : vector<1x128xf32> to vector<128xf32>
    %mul3A = arith.constant 9.99999974E-5 : f32
    %mul3A_3 = vector.broadcast %mul3A : f32 to vector<128xf32>
    %mul3A_4 = arith.mulf %get3A_2, %mul3A_3 : vector<128xf32>
    %get3A_5 = arith.constant 0 : index
    %get3A_6 = arith.constant 0 : index
    %get3A_7 = vector.load %arg4[%get3A_5, %get3A_6] : memref<1x128xf32, #tpu.memory_space<vmem>>, vector<1x128xf32>
    %get3A_8 = vector.shape_cast %get3A_7 : vector<1x128xf32> to vector<128xf32>
    %mul3A_9 = arith.constant 9.99999974E-5 : f32
    %mul3A_10 = vector.broadcast %mul3A_9 : f32 to vector<128xf32>
    %mul3A_11 = arith.mulf %get3A_8, %mul3A_10 : vector<128xf32>
    %mul3A_12 = arith.mulf %mul3A_4, %mul3A_4 : vector<128xf32>
    %sub3A = arith.subf %mul3A_11, %mul3A_12 : vector<128xf32>
    %add3A = arith.constant 9.99999974E-6 : f32
    %add3A_13 = vector.broadcast %add3A : f32 to vector<128xf32>
    %add3A_14 = arith.addf %sub3A, %add3A_13 : vector<128xf32>
    %rsqrt3A = math.rsqrt %add3A_14 : vector<128xf32>
    %get3A_15 = arith.constant 0 : index
    %get3A_16 = arith.constant 0 : index
    %get3A_17 = vector.load %arg5[%get3A_15, %get3A_16] : memref<1x128xf32, #tpu.memory_space<vmem>>, vector<1x128xf32>
    %get3A_18 = vector.shape_cast %get3A_17 : vector<1x128xf32> to vector<128xf32>
    %mul3A_19 = arith.mulf %rsqrt3A, %get3A_18 : vector<128xf32>
    %get3A_20 = arith.constant 0 : index
    %get3A_21 = arith.constant 0 : index
    %get3A_22 = arith.constant 0 : index
    %get3A_23 = vector.load %arg1[%get3A_20, %get3A_21, %get3A_22] : memref<1x2000x128xf32, #tpu.memory_space<vmem>>, vector<1x2000x128xf32>
    %get3A_24 = vector.shape_cast %get3A_23 : vector<1x2000x128xf32> to vector<2000x128xf32>
    %get3A_25 = arith.constant 0 : index
    %get3A_26 = arith.constant 0 : index
    %get3A_27 = arith.constant 0 : index
    %get3A_28 = vector.load %arg2[%get3A_25, %get3A_26, %get3A_27] : memref<1x2000x128xf32, #tpu.memory_space<vmem>>, vector<1x2000x128xf32>
    %get3A_29 = vector.shape_cast %get3A_28 : vector<1x2000x128xf32> to vector<2000x128xf32>
    %add3A_30 = arith.addf %get3A_24, %get3A_29 : vector<2000x128xf32>
    %broadcast_in_dim3A = vector.shape_cast %mul3A_4 : vector<128xf32> to vector<1x128xf32>
    %sub3A_31 = vector.broadcast %broadcast_in_dim3A : vector<1x128xf32> to vector<2000x128xf32>
    %sub3A_32 = arith.subf %add3A_30, %sub3A_31 : vector<2000x128xf32>
    %broadcast_in_dim3A_33 = vector.shape_cast %mul3A_19 : vector<128xf32> to vector<1x128xf32>
    %mul3A_34 = vector.broadcast %broadcast_in_dim3A_33 : vector<1x128xf32> to vector<2000x128xf32>
    %mul3A_35 = arith.mulf %sub3A_32, %mul3A_34 : vector<2000x128xf32>
    %get3A_36 = arith.constant 0 : index
    %get3A_37 = arith.constant 0 : index
    %get3A_38 = vector.load %arg6[%get3A_36, %get3A_37] : memref<1x128xf32, #tpu.memory_space<vmem>>, vector<1x128xf32>
    %get3A_39 = vector.shape_cast %get3A_38 : vector<1x128xf32> to vector<128xf32>
    %broadcast_in_dim3A_40 = vector.shape_cast %get3A_39 : vector<128xf32> to vector<1x128xf32>
    %add3A_41 = vector.broadcast %broadcast_in_dim3A_40 : vector<1x128xf32> to vector<2000x128xf32>
    %add3A_42 = arith.addf %mul3A_35, %add3A_41 : vector<2000x128xf32>
    %get3A_43 = arith.constant 0 : index
    %get3A_44 = arith.constant 0 : index
    %get3A_45 = vector.load %arg7[%get3A_43, %get3A_44] : memref<2000x128xf32, #tpu.memory_space<vmem>>, vector<2000x128xf32>
    %add3A_46 = arith.addf %add3A_42, %get3A_45 : vector<2000x128xf32>
    %max3A = arith.constant 0.000000e+00 : f32
    %max3A_47 = vector.broadcast %max3A : f32 to vector<2000x128xf32>
    %max3A_48 = arith.maximumf %add3A_46, %max3A_47 : vector<2000x128xf32>
    %swap3A = arith.constant 0 : index
    %swap3A_49 = arith.constant 0 : index
    %swap3A_50 = vector.load %arg8[%swap3A, %swap3A_49] : memref<2000x128xf32, #tpu.memory_space<vmem>>, vector<2000x128xf32>
    tpu.vector_store %arg8[%swap3A, %swap3A_49], %max3A_48 {strides = array<i32>} : memref<2000x128xf32, #tpu.memory_space<vmem>>, vector<2000x128xf32>,
    return
  }
  func.func @transform_0(%arg0: i32) -> (i32, i32, i32) {
    %c0_i32 = arith.constant 0 : i32
    %c0_i32_0 = arith.constant 0 : i32
    %c0_i32_1 = arith.constant 0 : i32
    return %c0_i32, %arg0, %c0_i32_0 : i32, i32, i32
  }
  func.func @transform_1(%arg0: i32) -> (i32, i32, i32) {
    %c1_i32 = arith.constant 1 : i32
    %c0_i32 = arith.constant 0 : i32
    %c0_i32_0 = arith.constant 0 : i32
    return %c1_i32, %arg0, %c0_i32 : i32, i32, i32
  }
  func.func @transform_2(%arg0: i32) -> (i32, i32) {
    %c0_i32 = arith.constant 0 : i32
    %c0_i32_0 = arith.constant 0 : i32
    %c0_i32_1 = arith.constant 0 : i32
    return %c0_i32, %c0_i32_0 : i32, i32
  }
  func.func @transform_3(%arg0: i32) -> (i32, i32) {
    %c0_i32 = arith.constant 0 : i32
    %c0_i32_0 = arith.constant 0 : i32
    %c0_i32_1 = arith.constant 0 : i32
    return %c0_i32, %c0_i32_0 : i32, i32
  }
  func.func @transform_4(%arg0: i32) -> (i32, i32) {
    %c0_i32 = arith.constant 0 : i32
    %c0_i32_0 = arith.constant 0 : i32
    %c0_i32_1 = arith.constant 0 : i32
    return %c0_i32, %c0_i32_0 : i32, i32
  }
  func.func @transform_5(%arg0: i32) -> (i32, i32) {
    %c0_i32 = arith.constant 0 : i32
    %c0_i32_0 = arith.constant 0 : i32
    %c0_i32_1 = arith.constant 0 : i32
    return %c0_i32, %c0_i32_0 : i32, i32
  }
  func.func @transform_6(%arg0: i32) -> (i32, i32) {
    %c0_i32 = arith.constant 0 : i32
    %c0_i32_0 = arith.constant 0 : i32
    return %arg0, %c0_i32 : i32, i32
  }
  func.func @transform_7(%arg0: i32) -> (i32, i32) {
    %c0_i32 = arith.constant 0 : i32
    %c0_i32_0 = arith.constant 0 : i32
    return %arg0, %c0_i32 : i32, i32
  }
}

</mosaic_0001>

<sc_bundles>
// kernel: kernel.12.cloned.1.call-start
scs
__scs_entry_jumppad:
0x0: {  	(pc) =	sbr.rel $0x88, $3  }
0x1: {  	(tag) =	ssettag $0x0;
	lr =	simm.s32 $0x1  }
0x2: {  	[smem:$0x3F98] =	sst lr;
	_ =	strace $0xD0000000  }
0x3: {  	_ = 	snop  }
0x4: {  	_ = 	snop  }
0x5: {  	_ = 	snop  }
0x6: {  	_ = 	snop  }
0x7: {  	_ = 	snop  }
__scs_overlays_trampoline_lowered:
0x8: {  	[smem:$0x3FA7] =	sst s0  }
0x9: {  	[smem:$0x3FA8] =	sst s1  }
0xa: {  	[smem:$0x3FA9] =	sst s2  }
0xb: {  	[smem:$0x3FAA] =	sst s3  }
0xc: {  	[smem:$0x3FAB] =	sst s4  }
0xd: {  	[smem:$0x3FAC] =	sst s5  }
0xe: {  	[smem:$0x3FAD] =	sst s6  }
0xf: {  	[smem:$0x3FAE] =	sst s7  }
0x10: {  	[smem:$0x3FAF] =	sst s8  }
0x11: {  	[smem:$0x3FB0] =	sst s9;
	s0 =	simm.s32 @!p0 $0x0  }
0x12: {  	s1 =	sld [smem:$0x3F96];
	s0 =	simm.s32 @p0 $0x1  }
0x13: {  	[smem:$0x3FB1] =	sst s0;
	s0 =	simm.s32 @!p1 $0x0  }
0x14: {  	s2 =	sld [smem:$0x3F95];
	s0 =	simm.s32 @p1 $0x1  }
0x15: {  	[smem:$0x3FB2] =	sst s0;
	s0 =	simm.s32 @!p2 $0x0  }
0x16: {  	s3 =	sld [smem:$0x3FDB];
	s0 =	simm.s32 @p2 $0x1  }
0x17: {  	s4 =	simm.s32 $0x1BF5;
	[smem:$0x3FB4] =	sst s0  }
0x18: {  	s0 =	sld [smem:$0x3F97];
	_ =	swait.ge [sflag:s4], $0x0  }
0x19: {  	s7 =	sld [smem:$0x3F98]  }
0x1a: {  	s8 =	sadd.s32 $0xFFFFE003, lr  }
0x1b: {  	s9 =	sadd.s32 $0xFFFFFEF7, lr;
	s5 =	simm.s32 $0xFFFFFFFF;
	p2 =	slt.u32 s8, $0xFFFFF086  }
0x1c: {  	p1 =	slt.u32 s9, $0xF7A;
	s5 =	simm.s32 @!p2 $0x0  }
0x1d: {  	s5 =	simm.s32 @p1 $0x1;
	p0 =	seq.s32 s7, s2  }
0x1e: {  	s7 =	smul.u32 @!p0 $0xF7A, s2;
	p2 =	seq.s32 @!p0 s5, $0x0  }
0x1f: {  	s9 =	smul.u32 $0xF7A, s1;
	s8 =	simm.s32 @!p0 $0x1BF5;
	p2 =	por !p2, p0  }
0x20: {  	[sflag:s8] =	ssyncset.s32 @!p0 $0xFFFFF086;
	s6 =	sadd.s32 @!p0 s3, s7;
	s7 =	simm.s32 @!p0 $0x108  }
0x21: {  	s3 =	sadd.s32 s3, s9;
	s6 =	sadd.s32 @!p0 $0x88, s6;
	s7 =	simm.s32 @p2 $0x1082  }
0x22: {  	[simem:s7], [sflag:s8] =	dma.local @!p0 [hbm:s6], $0xF7A  }
0x23: {  	s9 =	sor.u32 $0xD0000000, s2;
	s6 =	simm.s32 $0x108;
	_ =	swait.ge @!p0 [sflag:s8], $0x0  }
0x24: {  	s3 =	sadd.s32 $0x88, s3;
	s6 =	simm.s32 @!p1 $0x1082;
	[sflag:s4] =	ssyncset.s32 $0xFFFFF086  }
0x25: {  	[simem:s6], [sflag:s4] =	dma.local [hbm:s3], $0xF7A  }
0x26: {  	[smem:$0x3F98] =	sst s1;
	(tag) =	ssettag s2;
	_ =	strace s9  }
0x27: {  	s1 =	sld [smem:$0x3FA8]  }
0x28: {  	s2 =	sld [smem:$0x3FA9]  }
0x29: {  	s4 =	sld [smem:$0x3FAB]  }
0x2a: {  	p0 =	seq.s32 s5, $0x0;
	s5 =	sld [smem:$0x3FAC]  }
0x2b: {  	s6 =	sld [smem:$0x3FAD]  }
0x2c: {  	s7 =	sld [smem:$0x3FAE]  }
0x2d: {  	s3 =	simm.s32 $0x108;
	s8 =	sld [smem:$0x3FAF]  }
0x2e: {  	s3 =	simm.s32 @!p0 $0x1082;
	s9 =	sld [smem:$0x3FB0]  }
0x2f: {  	lr =	sadd.s32 s0, s3;
	s0 =	sld [smem:$0x3FA7]  }
0x30: {  	s3 =	sld [smem:$0x3FAA]  }
0x31: {  	[smem:$0x3FB3] =	sst s10  }
0x32: {  	s10 =	sld [smem:$0x3FB1];
	_ =	sdelay $0x3  }
0x33: {  	p0 =	seq.s32 s10, $0x1;
	s10 =	sld [smem:$0x3FB3];
	_ =	sdelay $0x3  }
0x34: {  	[smem:$0x3FB3] =	sst s10  }
0x35: {  	s10 =	sld [smem:$0x3FB2];
	_ =	sdelay $0x3  }
0x36: {  	p1 =	seq.s32 s10, $0x1;
	s10 =	sld [smem:$0x3FB3];
	_ =	sdelay $0x3  }
0x37: {  	[smem:$0x3FB3] =	sst s10  }
0x38: {  	s10 =	sld [smem:$0x3FB4]  }
0x39: {  	_ = 	snop;
	(pc) =	sbr.ind lr, $3  }
0x3a: {  	_ = 	snop  }
0x3b: {  	_ = 	snop  }
0x3c: {  	p2 =	seq.s32 s10, $0x1;
	s10 =	sld [smem:$0x3FB3]  }
0x3d: {  	_ =	shalt  }
0x3e: {  	_ =	shalt  }
0x3f: {  	_ =	shalt  }
0x40: {  	_ =	shalt  }
0x41: {  	_ =	shalt  }
0x42: {  	_ =	shalt  }
0x43: {  	_ =	shalt  }
0x44: {  	_ =	shalt  }
0x45: {  	_ =	shalt  }
0x46: {  	_ =	shalt  }
0x47: {  	_ =	shalt  }
0x48: {  	_ =	shalt  }
0x49: {  	_ =	shalt  }
0x4a: {  	_ =	shalt  }
0x4b: {  	_ =	shalt  }
0x4c: {  	_ =	shalt  }
0x4d: {  	_ =	shalt  }
0x4e: {  	_ =	shalt  }
0x4f: {  	_ =	shalt  }
0x50: {  	_ =	shalt  }
0x51: {  	_ =	shalt  }
0x52: {  	_ =	shalt  }
0x53: {  	_ =	shalt  }
0x54: {  	_ =	shalt  }
0x55: {  	_ =	shalt  }
0x56: {  	_ =	shalt  }
0x57: {  	_ =	shalt  }
0x58: {  	_ =	shalt  }
0x59: {  	_ =	shalt  }
0x5a: {  	_ =	shalt  }
0x5b: {  	_ =	shalt  }
0x5c: {  	_ =	shalt  }
0x5d: {  	_ =	shalt  }
0x5e: {  	_ =	shalt  }
0x5f: {  	_ =	shalt  }
0x60: {  	_ =	shalt  }
0x61: {  	_ =	shalt  }
0x62: {  	_ =	shalt  }
0x63: {  	_ =	shalt  }
0x64: {  	_ =	shalt  }
0x65: {  	_ =	shalt  }
0x66: {  	_ =	shalt  }
0x67: {  	_ =	shalt  }
0x68: {  	_ =	shalt  }
0x69: {  	_ =	shalt  }
0x6a: {  	_ =	shalt  }
0x6b: {  	_ =	shalt  }
0x6c: {  	_ =	shalt  }
0x6d: {  	_ =	shalt  }
0x6e: {  	_ =	shalt  }
0x6f: {  	_ =	shalt  }
0x70: {  	_ =	shalt  }
0x71: {  	_ =	shalt  }
0x72: {  	_ =	shalt  }
0x73: {  	_ =	shalt  }
0x74: {  	_ =	shalt  }
0x75: {  	_ =	shalt  }
0x76: {  	_ =	shalt  }
0x77: {  	_ =	shalt  }
0x78: {  	_ =	shalt  }
0x79: {  	_ =	shalt  }
0x7a: {  	_ =	shalt  }
0x7b: {  	_ =	shalt  }
0x7c: {  	_ =	shalt  }
0x7d: {  	_ =	shalt  }
0x7e: {  	_ =	shalt  }
0x7f: {  	_ =	shalt  }
0x80: {  	_ =	shalt  }
0x81: {  	_ =	shalt  }
0x82: {  	_ =	shalt  }
0x83: {  	_ =	shalt  }
0x84: {  	_ =	shalt  }
0x85: {  	_ =	shalt  }
0x86: {  	_ =	shalt  }
0x87: {  	_ =	shalt  }
.Lfunc_end0:
.L_simem_size_0:
called_computation.1_lowered:
.L_overlay_start_0:
0x88: {  	s2 =	sld [smem:$0x3FD9]  }
0x89: {  	s3 =	sld [smem:$0x3FFE];
	_ =	sdelay $0x1  }
0x8a: {  	s1 =	srdreg.scid  }
0x8b: {  	s0 =	sand.u32 $0x1, s1  }
0x8c: {  	s17 =	sshll.u32 s0, $0xA;
	s2 =	sadd.s32 s3, s2  }
0x8d: {  	s2 =	sadd.s32 s2, s17  }
0x8e: {  	[smem:$0x3FBF] =	sst s2  }
0x8f: {  	_ = 	snop  }
0x90: {  	s2 =	sld [smem:$0x3FD0];
	(tm) =	ssettm $0x1  }
0x91: {  	s18 =	sld [smem:$0x3FFB];
	_ =	sdelay $0x3  }
0x92: {  	_ =	strace s18  }
0x93: {  	s3 =	sld [smem:$0x3FFC];
	_ =	sdelay $0x3  }
0x94: {  	_ =	strace s3  }
0x95: {  	s3 =	sld [smem:$0x3FFD];
	_ =	sdelay $0x3  }
0x96: {  	_ =	strace s3  }
0x97: {  	_ =	strace $0x8FFFFFFF  }
0x98: {  	s19 =	sld [smem:$0x3FDB];
	_ =	sdelay $0x1  }
0x99: {  	s4 =	simm.s32 $_scs_section_size  }
0x9a: {  	s5 =	simm.s32 $_size__tile_overlayer_lowered;
	s6 =	simm.s32 $_tile_overlayer_lowered  }
0x9b: {  	s22 =	simm.s32 $0x1BFF;
	s21 =	sshll.u32 s6, $0x1;
	s3 =	sadd.s32 s4, s19  }
0x9c: {  	s7 =	simm.s32 $0x0;
	s20 =	sshll.u32 s5, $0x1;
	s5 =	sadd.s32 s21, s3  }
0x9d: {  	[timem:s7], [sflag:s22] =	dma.local [hbm:s5], s20  }
0x9e: {  	_ =	swait.ge [sflag:s22], s20  }
0x9f: {  	s4 =	ssub.s32 $0x0, s20;
	[sflag:s22] =	ssyncset.done $0x0  }
0xa0: {  	[sflag:s22] =	ssyncadd.s32 s4;
	_ =	sdelay $0x1  }
0xa1: {  	s23 =	simm.s32 $0x1B8B  }
0xa2: {  	_ =	swait.ge [sflag:s23], $0x1  }
0xa3: {  	[sflag:s23] =	ssyncset.done $0x0  }
0xa4: {  	s25 =	simm.s32 $0x1B8E;
	s24 =	sld [smem:$0x3FFE];
	[sflag:s23] =	ssyncadd.s32 $0xFFFFFFFF  }
0xa5: {  	s26 =	simm.s32 $execute0_lowered;
	[smem:$0x3FD2] =	sst s25  }
0xa6: {  	s5 =	sshll.u32 s26, $0x1;
	_ =	strace $0x80000049;
	[dreg:$0x1] =	wrdreg $0xFFFFFFFF  }
0xa7: {  	s28 =	simm.s32 $_size_execute0_lowered;
	s3 =	sadd.s32 s3, s5;
	[dreg:$0x0] =	wrdreg $0x0  }
0xa8: {  	s5 =	sshll.u32 s28, $0x1;
	[dreg:$0x2] =	wrdreg s3  }
0xa9: {  	[dreg:$0x3] =	wrdreg s5  }
0xaa: {  	[dreg:$0x4] =	wrdreg $0xC0  }
0xab: {  	_ =	task [dreg:s7], $0x5FFFF  }
0xac: {  	[dreg:$0x1] =	wrdreg $0xFFFFFFFF  }
0xad: {  	[dreg:$0x0] =	wrdreg $0x60  }
0xae: {  	[dreg:$0x2] =	wrdreg s2  }
0xaf: {  	[dreg:$0x3] =	wrdreg s24  }
0xb0: {  	[dreg:$0x4] =	wrdreg $0xA8000  }
0xb1: {  	[dreg:$0x5] =	wrdreg $0x9  }
0xb2: {  	_ =	task.clear_ibuf [dreg:s7], $0x6FFFF;
	_ =	strace $0x90000049  }
0xb3: {  	s29 =	simm.s32 $0x9;
	_ =	strace $0x8000004B  }
0xb4: {  	_ =	swait.ge [sflag:s29], $0x1  }
0xb5: {  	[sflag:s29] =	ssyncadd.s32 $0xFFFFFFFF  }
0xb6: {  	_ =	strace $0x9000004B  }
0xb7: {  	_ =	sfence  }
0xb8: {  	s30 =	sld [smem:$0x0];
	_ =	sdelay $0x2  }
0xb9: {  	s31 =	sshll.u32 s1, $0xD;
	s1 =	sshrl.u32 s1, $0x2  }
0xba: {  	s3 =	sand.u32 $0x4000, s31;
	s1 =	sadd.s32 s1, s30  }
0xbb: {  	s0 =	sor.u32 s3, s0;
	s1 =	sshll.u32 s1, $0x11  }
0xbc: {  	s0 =	sor.u32 s1, s0  }
0xbd: {  	s0 =	sadd.s32 $0x8F2B, s0  }
0xbe: {  	[sflag:s0] =	ssyncadd.remote.s32 $0x1  }
0xbf: {  	_ =	sfence.sel $0xFFFF  }
0xc0: {  	[dreg:$0x0] =	wrdreg $0xFFFFFFFF;
	(pc) =	sbr.abs _section_cstart, $3  }
0xc1: {  	[dreg:$0x1] =	wrdreg $0xFFFFFFFF  }
0xc2: {  	_ =	task.clear_ibuf [dreg:s7], $0x2FFFF;
	_ =	strace $0x9FFFFFFF  }
0xc3: {  	(tm) =	ssettm $0x7FFFFFFF  }
tec
execute0_lowered:
.L_overlay_start_1:
0x0: {  	(tag) =	ssettag $0x1  }
0x1: {  	s12 =	rddreg [dreg:$0x0]  }
0x2: {  	s5 =	rddreg [dreg:$0x1]  }
0x3: {  	s2 =	rddreg [dreg:$0x2]  }
0x4: {  	s0 =	rddreg [dreg:$0x3]  }
0x5: {  	s3 =	simm.s32 $0x0;
	s4 =	srdreg.scid;
	s1 =	stileid.u32  }
0x6: {  	s17 =	simm.s32 $0x3;
	s18 =	simm.s32 $0x1400;
	s19 =	simm.s32 $0x80  }
0x7: {  	s20 =	simm.s32 $0x6800;
	s21 =	simm.s32 $0x1;
	s22 =	simm.s32 $0x2  }
0x8: {  	s23 =	simm.s32 $0x2700;
	s24 =	simm.s32 $0x2780;
	[smem:$0x7FF] =	sst s3  }
0x9: {  	s6 =	sand.u32 $0x1, s4;
	s7 =	smul.u32 $0x2800, s1;
	s13 =	sadd.s32 $0x2A00, s5  }
0xa: {  	s4 =	sadd.s32 $0xCA00, s5;
	s10 =	smul.u32 $0x50000, s1;
	_ =	strace $0x8000004A  }
0xb: {  	s8 =	smul.u32 $0x28000, s6;
	s9 =	sshll.u32 s6, $0x4;
	s6 =	ssub.s32 $0x2, s6  }
0xc: {  	s30 =	sor.u32 s1, s9;
	s31 =	sshrl.u32 s6, $0x1;
	s10 =	sshrl.u32 s10, $0x2  }
0xd: {  	s7 =	sadd.s32 s7, s8;
	s8 =	smul.u32 $0x2800, s30;
	s15 =	ssub.s32 s6, s31  }
0xe: {  	s14 =	sadd.s32 s7, s5;
	s5 =	sadd.s32 s10, s2;
	s15 =	smax.u32 s15, $0x1  }
0xf: {  	s6 =	sadd.s32 $0x4000, s5;
	s7 =	sadd.s32 $0x8000, s5;
	s11 =	sshrl.u32 s8, $0x3  }
0x10: {  	s8 =	sadd.s32 $0xC000, s5;
	s9 =	sadd.s32 $0x10000, s5;
	s14 =	sadd.s32 $0x42B600, s14  }
0x11: {  	s16 =	sadd.s32 $0x280, s11;
	s10 =	sadd.s32 s12, s11;
	s11 =	sadd.s32 s13, s11  }
0x12: {  	v0 =	vimm.f32 $0.0e+00;
	s12 =	sadd.s32 s12, s16;
	s13 =	sadd.s32 s13, s16;
	s16 =	simm.s32 $0x2800  }
.LBB2_1:
0x13: {  	s25 =	simm.s32 $0x0;
	s26 =	simm.s32 $0x200  }
.LBB2_2:
0x14: {  	p0 =	sne.s32 s26, $0xFE00;
	[tilespmem:s25+$0x2870] =	vst v0  }
0x15: {  	[tilespmem:s25+$0x2800] =	vst v0  }
0x16: {  	[tilespmem:s25+$0x2810] =	vst v0  }
.Ltmp0:
0x17: {  	[tilespmem:s25+$0x2820] =	vst v0;
	(pc) =	sbr.rel @p0 .LBB2_2-.Ltmp0, $4  }
0x18: {  	[tilespmem:s25+$0x2830] =	vst v0  }
0x19: {  	[tilespmem:s25+$0x2840] =	vst v0  }
0x1a: {  	[tilespmem:s25+$0x2850] =	vst v0  }
0x1b: {  	[tilespmem:s25+$0x2860] =	vst v0;
	s25 =	sshra.s32 s26, $0x2;
	s26 =	sadd.s32 $0x200, s26  }
0x1c: {  	[tilespmem:s25+$0x2870] =	vst v0  }
0x1d: {  	[tilespmem:s25+$0x2800] =	vst v0  }
0x1e: {  	[tilespmem:s25+$0x2810] =	vst v0  }
0x1f: {  	[tilespmem:s25+$0x2820] =	vst v0  }
0x20: {  	[tilespmem:s25+$0x2830] =	vst v0  }
0x21: {  	[tilespmem:s25+$0x2840] =	vst v0  }
0x22: {  	[tilespmem:s25+$0x2850] =	vst v0  }
0x23: {  	[tilespmem:s25+$0x2860] =	vst v0  }
0x24: {  	[spmem:s5] =	stream.linear.scatter [tilespmem:s16], [sflag:$0x3], $0x4000, $0x38;
	[tilespmem:$0x1E800] =	vst v63  }
0x25: {  	_ =	swait.ge [sflag:s17], $0x4000  }
0x26: {  	[sflag:s17] =	ssyncset.done $0x0  }
0x27: {  	[sflag:s17] =	ssyncadd.s32 $0xFFFFC000  }
0x28: {  	[spmem:s6] =	stream.linear.scatter [tilespmem:s16], [sflag:$0x3], $0x4000, $0x38;
	[tilespmem:$0x1E800] =	vst v63  }
0x29: {  	_ =	swait.ge [sflag:s17], $0x4000  }
0x2a: {  	[sflag:s17] =	ssyncset.done $0x0  }
0x2b: {  	[sflag:s17] =	ssyncadd.s32 $0xFFFFC000  }
0x2c: {  	[spmem:s7] =	stream.linear.scatter [tilespmem:s16], [sflag:$0x3], $0x4000, $0x38;
	[tilespmem:$0x1E800] =	vst v63  }
0x2d: {  	_ =	swait.ge [sflag:s17], $0x4000  }
0x2e: {  	[sflag:s17] =	ssyncset.done $0x0  }
0x2f: {  	[sflag:s17] =	ssyncadd.s32 $0xFFFFC000  }
0x30: {  	[spmem:s8] =	stream.linear.scatter [tilespmem:s16], [sflag:$0x3], $0x4000, $0x38;
	[tilespmem:$0x1E800] =	vst v63  }
0x31: {  	_ =	swait.ge [sflag:s17], $0x4000  }
0x32: {  	[sflag:s17] =	ssyncset.done $0x0  }
0x33: {  	[sflag:s17] =	ssyncadd.s32 $0xFFFFC000  }
0x34: {  	[spmem:s9] =	stream.linear.scatter [tilespmem:s16], [sflag:$0x3], $0x4000, $0x38;
	[tilespmem:$0x1E800] =	vst v63  }
0x35: {  	_ =	swait.ge [sflag:s17], $0x4000  }
0x36: {  	[sflag:s17] =	ssyncset.done $0x0  }
0x37: {  	[sflag:s17] =	ssyncadd.s32 $0xFFFFC000  }
0x38: {  	s28 =	simm.s32 $0x0;
	[bflag:$0x0] =	sbarrier.arrive $0xFFFF  }
0x39: {  	[tilespmem:s28], [sflag:$0x3] =	stream.linear.gather [hbm4b:s10+s28], $0x1400, $0x38;
	[tilespmem:$0x1E800] =	vst v63  }
0x3a: {  	_ =	swait.ge [sflag:s17], $0x1400  }
0x3b: {  	[sflag:s17] =	ssyncset.done $0x0  }
0x3c: {  	[sflag:s17] =	ssyncadd.s32 $0xFFFFEC00  }
0x3d: {  	[tilespmem:s18], [sflag:$0x3] =	stream.linear.gather [hbm4b:s11+s28], $0x1400, $0x38;
	[tilespmem:$0x1E800] =	vst v63  }
0x3e: {  	_ =	swait.ge [sflag:s17], $0x1400  }
0x3f: {  	[sflag:s17] =	ssyncset.done $0x0  }
0x40: {  	[sflag:s17] =	ssyncadd.s32 $0xFFFFEC00  }
0x41: {  	[tilespmem:s16], [sflag:$0x1] =	stream.indirect.gather [hbm4b:s4+s19], $0x80, s28, s19, $0xb8;
	[tilespmem:$0x1E800] =	vst v63  }
0x42: {  	_ = 	snop  }
0x43: {  	[tilespmem:s20], [sflag:$0x2] =	stream.indirect.gather [hbm4b:s4+s19], $0x80, s19, s19, $0xb8;
	[tilespmem:$0x1E800] =	vst v63  }
0x44: {  	_ =	swait.ge [sflag:s21], $0x4000  }
0x45: {  	[sflag:s21] =	ssyncset.done $0x0  }
0x46: {  	s29 =	simm.s32 $0x1400;
	[sflag:s21] =	ssyncadd.s32 $0xFFFFC000  }
0x47: {  	[spmem:s2] =	stream.indirect.scatter.add.f32 [tilespmem:s16], [sflag:$0x3], $0x80, s29, s19, $0xb8;
	[tilespmem:$0x1E800] =	vst v63  }
0x48: {  	_ =	swait.ge [sflag:s17], $0x4000  }
0x49: {  	[sflag:s17] =	ssyncset.done $0x0  }
0x4a: {  	s30 =	simm.s32 $0x100;
	[sflag:s17] =	ssyncadd.s32 $0xFFFFC000  }
0x4b: {  	[tilespmem:s16], [sflag:$0x1] =	stream.indirect.gather [hbm4b:s4+s19], $0x80, s30, s19, $0xb8;
	[tilespmem:$0x1E800] =	vst v63  }
0x4c: {  	_ =	swait.ge [sflag:s22], $0x4000  }
0x4d: {  	[sflag:s22] =	ssyncset.done $0x0  }
0x4e: {  	s31 =	simm.s32 $0x1480;
	[sflag:s22] =	ssyncadd.s32 $0xFFFFC000  }
0x4f: {  	[spmem:s2] =	stream.indirect.scatter.add.f32 [tilespmem:s20], [sflag:$0x3], $0x80, s31, s19, $0xb8;
	[tilespmem:$0x1E800] =	vst v63  }
0x50: {  	_ =	swait.ge [sflag:s17], $0x4000  }
0x51: {  	[sflag:s17] =	ssyncset.done $0x0  }
0x52: {  	s25 =	simm.s32 $0x400;
	s26 =	simm.s32 $0x180;
	[sflag:s17] =	ssyncadd.s32 $0xFFFFC000  }
.LBB2_4:
0x53: {  	[tilespmem:s20], [sflag:$0x2] =	stream.indirect.gather [hbm4b:s4+s19], $0x80, s26, s19, $0xb8;
	[tilespmem:$0x1E800] =	vst v63  }
0x54: {  	s26 =	smov.u32 s25  }
0x55: {  	p0 =	sne.s32 s25, $0x4800;
	s25 =	sadd.s32 $0x400, s25;
	_ =	swait.ge [sflag:s21], $0x4000  }
0x56: {  	s26 =	sshra.s32 s26, $0x2;
	[sflag:s21] =	ssyncset.done $0x0  }
0x57: {  	s28 =	sadd.s32 $0x1400, s26;
	[sflag:s21] =	ssyncadd.s32 $0xFFFFC000  }
0x58: {  	[spmem:s2] =	stream.indirect.scatter.add.f32 [tilespmem:s16], [sflag:$0x3], $0x80, s28, s19, $0xb8;
	[tilespmem:$0x1E800] =	vst v63  }
0x59: {  	_ =	swait.ge [sflag:s17], $0x4000  }
0x5a: {  	[sflag:s17] =	ssyncset.done $0x0  }
0x5b: {  	s28 =	sadd.s32 $0x100, s26;
	[sflag:s17] =	ssyncadd.s32 $0xFFFFC000  }
0x5c: {  	[tilespmem:s16], [sflag:$0x1] =	stream.indirect.gather [hbm4b:s4+s19], $0x80, s28, s19, $0xb8;
	[tilespmem:$0x1E800] =	vst v63  }
0x5d: {  	_ =	swait.ge [sflag:s22], $0x4000  }
0x5e: {  	[sflag:s22] =	ssyncset.done $0x0  }
.Ltmp1:
0x5f: {  	s28 =	sadd.s32 $0x1480, s26;
	[sflag:s22] =	ssyncadd.s32 $0xFFFFC000;
	(pc) =	sbr.rel @p0 .LBB2_4-.Ltmp1, $4  }
0x60: {  	[spmem:s2] =	stream.indirect.scatter.add.f32 [tilespmem:s20], [sflag:$0x3], $0x80, s28, s19, $0xb8;
	[tilespmem:$0x1E800] =	vst v63  }
0x61: {  	_ =	swait.ge [sflag:s17], $0x4000  }
0x62: {  	[sflag:s17] =	ssyncset.done $0x0  }
0x63: {  	s26 =	sadd.s32 $0x180, s26;
	[sflag:s17] =	ssyncadd.s32 $0xFFFFC000  }
0x64: {  	[tilespmem:s20], [sflag:$0x2] =	stream.indirect.gather [hbm4b:s4+s19], $0x80, s26, s19, $0xb8;
	[tilespmem:$0x1E800] =	vst v63  }
0x65: {  	_ =	swait.ge [sflag:s21], $0x4000  }
0x66: {  	[sflag:s21] =	ssyncset.done $0x0  }
0x67: {  	[sflag:s21] =	ssyncadd.s32 $0xFFFFC000  }
0x68: {  	[spmem:s2] =	stream.indirect.scatter.add.f32 [tilespmem:s16], [sflag:$0x3], $0x80, s23, s19, $0xb8;
	[tilespmem:$0x1E800] =	vst v63  }
0x69: {  	_ =	swait.ge [sflag:s17], $0x4000  }
0x6a: {  	[sflag:s17] =	ssyncset.done $0x0  }
0x6b: {  	[sflag:s17] =	ssyncadd.s32 $0xFFFFC000  }
0x6c: {  	_ =	swait.ge [sflag:s22], $0x4000  }
0x6d: {  	[sflag:s22] =	ssyncset.done $0x0  }
0x6e: {  	[sflag:s22] =	ssyncadd.s32 $0xFFFFC000  }
0x6f: {  	[spmem:s2] =	stream.indirect.scatter.add.f32 [tilespmem:s20], [sflag:$0x3], $0x80, s24, s19, $0xb8;
	[tilespmem:$0x1E800] =	vst v63  }
0x70: {  	_ =	swait.ge [sflag:s17], $0x4000  }
0x71: {  	[sflag:s17] =	ssyncset.done $0x0  }
0x72: {  	s25 =	simm.s32 $0x0;
	[sflag:s17] =	ssyncadd.s32 $0xFFFFC000  }
0x73: {  	[tilespmem:s25], [sflag:$0x3] =	stream.linear.gather [hbm4b:s12+s25], $0x1400, $0x38;
	[tilespmem:$0x1E800] =	vst v63  }
0x74: {  	_ =	swait.ge [sflag:s17], $0x1400  }
0x75: {  	[sflag:s17] =	ssyncset.done $0x0  }
0x76: {  	[sflag:s17] =	ssyncadd.s32 $0xFFFFEC00  }
0x77: {  	[tilespmem:s18], [sflag:$0x3] =	stream.linear.gather [hbm4b:s13+s25], $0x1400, $0x38;
	[tilespmem:$0x1E800] =	vst v63  }
0x78: {  	_ =	swait.ge [sflag:s17], $0x1400  }
0x79: {  	[sflag:s17] =	ssyncset.done $0x0  }
0x7a: {  	[sflag:s17] =	ssyncadd.s32 $0xFFFFEC00  }
0x7b: {  	[tilespmem:s16], [sflag:$0x1] =	stream.indirect.gather [hbm4b:s4+s19], $0x80, s25, s19, $0xb8;
	[tilespmem:$0x1E800] =	vst v63  }
0x7c: {  	_ = 	snop  }
0x7d: {  	[tilespmem:s20], [sflag:$0x2] =	stream.indirect.gather [hbm4b:s4+s19], $0x80, s19, s19, $0xb8;
	[tilespmem:$0x1E800] =	vst v63  }
0x7e: {  	_ =	swait.ge [sflag:s21], $0x4000  }
0x7f: {  	[sflag:s21] =	ssyncset.done $0x0  }
0x80: {  	s29 =	simm.s32 $0x1400;
	[sflag:s21] =	ssyncadd.s32 $0xFFFFC000  }
0x81: {  	[spmem:s2] =	stream.indirect.scatter.add.f32 [tilespmem:s16], [sflag:$0x3], $0x80, s29, s19, $0xb8;
	[tilespmem:$0x1E800] =	vst v63  }
0x82: {  	_ =	swait.ge [sflag:s17], $0x4000  }
0x83: {  	[sflag:s17] =	ssyncset.done $0x0  }
0x84: {  	s30 =	simm.s32 $0x100;
	[sflag:s17] =	ssyncadd.s32 $0xFFFFC000  }
0x85: {  	[tilespmem:s16], [sflag:$0x1] =	stream.indirect.gather [hbm4b:s4+s19], $0x80, s30, s19, $0xb8;
	[tilespmem:$0x1E800] =	vst v63  }
0x86: {  	_ =	swait.ge [sflag:s22], $0x4000  }
0x87: {  	[sflag:s22] =	ssyncset.done $0x0  }
0x88: {  	s31 =	simm.s32 $0x1480;
	[sflag:s22] =	ssyncadd.s32 $0xFFFFC000  }
0x89: {  	[spmem:s2] =	stream.indirect.scatter.add.f32 [tilespmem:s20], [sflag:$0x3], $0x80, s31, s19, $0xb8;
	[tilespmem:$0x1E800] =	vst v63  }
0x8a: {  	_ =	swait.ge [sflag:s17], $0x4000  }
0x8b: {  	[sflag:s17] =	ssyncset.done $0x0  }
0x8c: {  	s26 =	simm.s32 $0x180;
	s25 =	simm.s32 $0x400;
	[sflag:s17] =	ssyncadd.s32 $0xFFFFC000  }
.LBB2_6:
0x8d: {  	[tilespmem:s20], [sflag:$0x2] =	stream.indirect.gather [hbm4b:s4+s19], $0x80, s26, s19, $0xb8;
	[tilespmem:$0x1E800] =	vst v63  }
0x8e: {  	s26 =	smov.u32 s25  }
0x8f: {  	p0 =	sne.s32 s25, $0x4800;
	s25 =	sadd.s32 $0x400, s25;
	_ =	swait.ge [sflag:s21], $0x4000  }
0x90: {  	s26 =	sshra.s32 s26, $0x2;
	[sflag:s21] =	ssyncset.done $0x0  }
0x91: {  	s28 =	sadd.s32 $0x1400, s26;
	[sflag:s21] =	ssyncadd.s32 $0xFFFFC000  }
0x92: {  	[spmem:s2] =	stream.indirect.scatter.add.f32 [tilespmem:s16], [sflag:$0x3], $0x80, s28, s19, $0xb8;
	[tilespmem:$0x1E800] =	vst v63  }
0x93: {  	_ =	swait.ge [sflag:s17], $0x4000  }
0x94: {  	[sflag:s17] =	ssyncset.done $0x0  }
0x95: {  	s28 =	sadd.s32 $0x100, s26;
	[sflag:s17] =	ssyncadd.s32 $0xFFFFC000  }
0x96: {  	[tilespmem:s16], [sflag:$0x1] =	stream.indirect.gather [hbm4b:s4+s19], $0x80, s28, s19, $0xb8;
	[tilespmem:$0x1E800] =	vst v63  }
0x97: {  	_ =	swait.ge [sflag:s22], $0x4000  }
0x98: {  	[sflag:s22] =	ssyncset.done $0x0  }
.Ltmp2:
0x99: {  	s28 =	sadd.s32 $0x1480, s26;
	[sflag:s22] =	ssyncadd.s32 $0xFFFFC000;
	(pc) =	sbr.rel @p0 .LBB2_6-.Ltmp2, $4  }
0x9a: {  	[spmem:s2] =	stream.indirect.scatter.add.f32 [tilespmem:s20], [sflag:$0x3], $0x80, s28, s19, $0xb8;
	[tilespmem:$0x1E800] =	vst v63  }
0x9b: {  	_ =	swait.ge [sflag:s17], $0x4000  }
0x9c: {  	[sflag:s17] =	ssyncset.done $0x0  }
0x9d: {  	s26 =	sadd.s32 $0x180, s26;
	[sflag:s17] =	ssyncadd.s32 $0xFFFFC000  }
0x9e: {  	[tilespmem:s20], [sflag:$0x2] =	stream.indirect.gather [hbm4b:s4+s19], $0x80, s26, s19, $0xb8;
	[tilespmem:$0x1E800] =	vst v63  }
0x9f: {  	_ =	swait.ge [sflag:s21], $0x4000  }
0xa0: {  	[sflag:s21] =	ssyncset.done $0x0  }
0xa1: {  	[sflag:s21] =	ssyncadd.s32 $0xFFFFC000  }
0xa2: {  	[spmem:s2] =	stream.indirect.scatter.add.f32 [tilespmem:s16], [sflag:$0x3], $0x80, s23, s19, $0xb8;
	[tilespmem:$0x1E800] =	vst v63  }
0xa3: {  	_ =	swait.ge [sflag:s17], $0x4000  }
0xa4: {  	[sflag:s17] =	ssyncset.done $0x0  }
0xa5: {  	[sflag:s17] =	ssyncadd.s32 $0xFFFFC000  }
0xa6: {  	_ =	swait.ge [sflag:s22], $0x4000  }
0xa7: {  	[sflag:s22] =	ssyncset.done $0x0  }
0xa8: {  	[sflag:s22] =	ssyncadd.s32 $0xFFFFC000  }
0xa9: {  	[spmem:s2] =	stream.indirect.scatter.add.f32 [tilespmem:s20], [sflag:$0x3], $0x80, s24, s19, $0xb8;
	[tilespmem:$0x1E800] =	vst v63  }
0xaa: {  	_ =	swait.ge [sflag:s17], $0x4000  }
0xab: {  	s25 =	sshll.u32 s1, $0x6;
	s3 =	sadd.s32 $0x1, s3;
	[sflag:s17] =	ssyncset.done $0x0  }
0xac: {  	s31 =	sshrl.u32 s5, $0x3;
	p0 =	sne.s32 s3, s15;
	[sflag:s17] =	ssyncadd.s32 $0xFFFFC000  }
.Ltmp3:
0xad: {  	s25 =	sor.u32 $0x1C03, s25;
	[bflag:$0x0] =	sbarrier.arrive $0xFFFF;
	(pc) =	sbr.rel @p0 .LBB2_1-.Ltmp3, $4  }
0xae: {  	[hbm:s14], [sflag:s25] =	dma.local [spmem:s31], $0x2800  }
0xaf: {  	_ =	swait.ge [sflag:s17], $0x2800  }
0xb0: {  	[sflag:s17] =	ssyncset.done $0x0  }
0xb1: {  	[sflag:s17] =	ssyncadd.s32 $0xFFFFD800  }
0xb2: {  	_ =	sfence.sel $0x180000  }
0xb3: {  	[bflag:$0x0] =	sbarrier.arrive $0xFFFF  }
0xb4: {  	p0 =	sne.s32 s1, $0x0;
	_ =	strace $0x9000004A  }
0xb5: {  	s0 =	sadd.s32 @!p0 $0x100000, s0;
	[bflag:$0x2] =	sbarrier.arrive $0xFFFF  }
0xb6: {  	[sflag:s0] =	ssyncadd.tile.s32 @!p0 $0x1;
	_ =	shalt  }
.Lfunc_end2:
_tile_overlayer_lowered:
.L_overlay_start_2:
0xb7: {  	(tag) =	ssettag $0x2  }
0xb8: {  	s0 =	rddreg [dreg:$0x0];
	s2 =	stileid.u32  }
0xb9: {  	s1 =	rddreg [dreg:$0x1];
	p0 =	sne.s32 s2, $0x0  }
0xba: {  	s3 =	rddreg [dreg:$0x2];
	[bflag:$0x3] =	sbarrier.arrive $0xFFFF;
	s2 =	simm.s32 @!p0 $0x1C03  }
0xbb: {  	[timem:s3], [sflag:s2] =	dma.local @!p0 [hbm:s0], s1  }
0xbc: {  	s0 =	simm.s32 @!p0 $0x3  }
0xbd: {  	_ =	swait.ge @!p0 [sflag:s0], s1  }
0xbe: {  	s1 =	ssub.s32 @!p0 $0x0, s1;
	[sflag:s0] =	ssyncset.done @!p0 $0x0  }
0xbf: {  	[sflag:s0] =	ssyncadd.s32 @!p0 s1  }
0xc0: {  	[bflag:$0x3] =	sbarrier.arrive $0xFFFF  }
0xc1: {  	_ =	shalt  }

// kernel: kernel.9.cloned.1.call-start
scs
__scs_entry_jumppad:
0x0: {  	(pc) =	sbr.rel $0x88, $3  }
0x1: {  	(tag) =	ssettag $0x0;
	lr =	simm.s32 $0x1  }
0x2: {  	[smem:$0x3F98] =	sst lr;
	_ =	strace $0xD0000000  }
0x3: {  	_ = 	snop  }
0x4: {  	_ = 	snop  }
0x5: {  	_ = 	snop  }
0x6: {  	_ = 	snop  }
0x7: {  	_ = 	snop  }
__scs_overlays_trampoline_lowered:
0x8: {  	[smem:$0x3FA7] =	sst s0  }
0x9: {  	[smem:$0x3FA8] =	sst s1  }
0xa: {  	[smem:$0x3FA9] =	sst s2  }
0xb: {  	[smem:$0x3FAA] =	sst s3  }
0xc: {  	[smem:$0x3FAB] =	sst s4  }
0xd: {  	[smem:$0x3FAC] =	sst s5  }
0xe: {  	[smem:$0x3FAD] =	sst s6  }
0xf: {  	[smem:$0x3FAE] =	sst s7  }
0x10: {  	[smem:$0x3FAF] =	sst s8  }
0x11: {  	[smem:$0x3FB0] =	sst s9;
	s0 =	simm.s32 @!p0 $0x0  }
0x12: {  	s1 =	sld [smem:$0x3F96];
	s0 =	simm.s32 @p0 $0x1  }
0x13: {  	[smem:$0x3FB1] =	sst s0;
	s0 =	simm.s32 @!p1 $0x0  }
0x14: {  	s2 =	sld [smem:$0x3F95];
	s0 =	simm.s32 @p1 $0x1  }
0x15: {  	[smem:$0x3FB2] =	sst s0;
	s0 =	simm.s32 @!p2 $0x0  }
0x16: {  	s3 =	sld [smem:$0x3FDB];
	s0 =	simm.s32 @p2 $0x1  }
0x17: {  	s4 =	simm.s32 $0x1BF5;
	[smem:$0x3FB4] =	sst s0  }
0x18: {  	s0 =	sld [smem:$0x3F97];
	_ =	swait.ge [sflag:s4], $0x0  }
0x19: {  	s7 =	sld [smem:$0x3F98]  }
0x1a: {  	s8 =	sadd.s32 $0xFFFFE003, lr  }
0x1b: {  	s9 =	sadd.s32 $0xFFFFFEF7, lr;
	s5 =	simm.s32 $0xFFFFFFFF;
	p2 =	slt.u32 s8, $0xFFFFF086  }
0x1c: {  	p1 =	slt.u32 s9, $0xF7A;
	s5 =	simm.s32 @!p2 $0x0  }
0x1d: {  	s5 =	simm.s32 @p1 $0x1;
	p0 =	seq.s32 s7, s2  }
0x1e: {  	s7 =	smul.u32 @!p0 $0xF7A, s2;
	p2 =	seq.s32 @!p0 s5, $0x0  }
0x1f: {  	s9 =	smul.u32 $0xF7A, s1;
	s8 =	simm.s32 @!p0 $0x1BF5;
	p2 =	por !p2, p0  }
0x20: {  	[sflag:s8] =	ssyncset.s32 @!p0 $0xFFFFF086;
	s6 =	sadd.s32 @!p0 s3, s7;
	s7 =	simm.s32 @!p0 $0x108  }
0x21: {  	s3 =	sadd.s32 s3, s9;
	s6 =	sadd.s32 @!p0 $0x88, s6;
	s7 =	simm.s32 @p2 $0x1082  }
0x22: {  	[simem:s7], [sflag:s8] =	dma.local @!p0 [hbm:s6], $0xF7A  }
0x23: {  	s9 =	sor.u32 $0xD0000000, s2;
	s6 =	simm.s32 $0x108;
	_ =	swait.ge @!p0 [sflag:s8], $0x0  }
0x24: {  	s3 =	sadd.s32 $0x88, s3;
	s6 =	simm.s32 @!p1 $0x1082;
	[sflag:s4] =	ssyncset.s32 $0xFFFFF086  }
0x25: {  	[simem:s6], [sflag:s4] =	dma.local [hbm:s3], $0xF7A  }
0x26: {  	[smem:$0x3F98] =	sst s1;
	(tag) =	ssettag s2;
	_ =	strace s9  }
0x27: {  	s1 =	sld [smem:$0x3FA8]  }
0x28: {  	s2 =	sld [smem:$0x3FA9]  }
0x29: {  	s4 =	sld [smem:$0x3FAB]  }
0x2a: {  	p0 =	seq.s32 s5, $0x0;
	s5 =	sld [smem:$0x3FAC]  }
0x2b: {  	s6 =	sld [smem:$0x3FAD]  }
0x2c: {  	s7 =	sld [smem:$0x3FAE]  }
0x2d: {  	s3 =	simm.s32 $0x108;
	s8 =	sld [smem:$0x3FAF]  }
0x2e: {  	s3 =	simm.s32 @!p0 $0x1082;
	s9 =	sld [smem:$0x3FB0]  }
0x2f: {  	lr =	sadd.s32 s0, s3;
	s0 =	sld [smem:$0x3FA7]  }
0x30: {  	s3 =	sld [smem:$0x3FAA]  }
0x31: {  	[smem:$0x3FB3] =	sst s10  }
0x32: {  	s10 =	sld [smem:$0x3FB1];
	_ =	sdelay $0x3  }
0x33: {  	p0 =	seq.s32 s10, $0x1;
	s10 =	sld [smem:$0x3FB3];
	_ =	sdelay $0x3  }
0x34: {  	[smem:$0x3FB3] =	sst s10  }
0x35: {  	s10 =	sld [smem:$0x3FB2];
	_ =	sdelay $0x3  }
0x36: {  	p1 =	seq.s32 s10, $0x1;
	s10 =	sld [smem:$0x3FB3];
	_ =	sdelay $0x3  }
0x37: {  	[smem:$0x3FB3] =	sst s10  }
0x38: {  	s10 =	sld [smem:$0x3FB4]  }
0x39: {  	_ = 	snop;
	(pc) =	sbr.ind lr, $3  }
0x3a: {  	_ = 	snop  }
0x3b: {  	_ = 	snop  }
0x3c: {  	p2 =	seq.s32 s10, $0x1;
	s10 =	sld [smem:$0x3FB3]  }
0x3d: {  	_ =	shalt  }
0x3e: {  	_ =	shalt  }
0x3f: {  	_ =	shalt  }
0x40: {  	_ =	shalt  }
0x41: {  	_ =	shalt  }
0x42: {  	_ =	shalt  }
0x43: {  	_ =	shalt  }
0x44: {  	_ =	shalt  }
0x45: {  	_ =	shalt  }
0x46: {  	_ =	shalt  }
0x47: {  	_ =	shalt  }
0x48: {  	_ =	shalt  }
0x49: {  	_ =	shalt  }
0x4a: {  	_ =	shalt  }
0x4b: {  	_ =	shalt  }
0x4c: {  	_ =	shalt  }
0x4d: {  	_ =	shalt  }
0x4e: {  	_ =	shalt  }
0x4f: {  	_ =	shalt  }
0x50: {  	_ =	shalt  }
0x51: {  	_ =	shalt  }
0x52: {  	_ =	shalt  }
0x53: {  	_ =	shalt  }
0x54: {  	_ =	shalt  }
0x55: {  	_ =	shalt  }
0x56: {  	_ =	shalt  }
0x57: {  	_ =	shalt  }
0x58: {  	_ =	shalt  }
0x59: {  	_ =	shalt  }
0x5a: {  	_ =	shalt  }
0x5b: {  	_ =	shalt  }
0x5c: {  	_ =	shalt  }
0x5d: {  	_ =	shalt  }
0x5e: {  	_ =	shalt  }
0x5f: {  	_ =	shalt  }
0x60: {  	_ =	shalt  }
0x61: {  	_ =	shalt  }
0x62: {  	_ =	shalt  }
0x63: {  	_ =	shalt  }
0x64: {  	_ =	shalt  }
0x65: {  	_ =	shalt  }
0x66: {  	_ =	shalt  }
0x67: {  	_ =	shalt  }
0x68: {  	_ =	shalt  }
0x69: {  	_ =	shalt  }
0x6a: {  	_ =	shalt  }
0x6b: {  	_ =	shalt  }
0x6c: {  	_ =	shalt  }
0x6d: {  	_ =	shalt  }
0x6e: {  	_ =	shalt  }
0x6f: {  	_ =	shalt  }
0x70: {  	_ =	shalt  }
0x71: {  	_ =	shalt  }
0x72: {  	_ =	shalt  }
0x73: {  	_ =	shalt  }
0x74: {  	_ =	shalt  }
0x75: {  	_ =	shalt  }
0x76: {  	_ =	shalt  }
0x77: {  	_ =	shalt  }
0x78: {  	_ =	shalt  }
0x79: {  	_ =	shalt  }
0x7a: {  	_ =	shalt  }
0x7b: {  	_ =	shalt  }
0x7c: {  	_ =	shalt  }
0x7d: {  	_ =	shalt  }
0x7e: {  	_ =	shalt  }
0x7f: {  	_ =	shalt  }
0x80: {  	_ =	shalt  }
0x81: {  	_ =	shalt  }
0x82: {  	_ =	shalt  }
0x83: {  	_ =	shalt  }
0x84: {  	_ =	shalt  }
0x85: {  	_ =	shalt  }
0x86: {  	_ =	shalt  }
0x87: {  	_ =	shalt  }
.Lfunc_end0:
.L_simem_size_0:
called_computation_lowered:
.L_overlay_start_0:
0x88: {  	s2 =	sld [smem:$0x3FD9]  }
0x89: {  	s3 =	sld [smem:$0x3FFE];
	_ =	sdelay $0x1  }
0x8a: {  	s1 =	srdreg.scid  }
0x8b: {  	s0 =	sand.u32 $0x1, s1  }
0x8c: {  	s17 =	sshll.u32 s0, $0xA;
	s2 =	sadd.s32 s3, s2  }
0x8d: {  	s2 =	sadd.s32 s2, s17  }
0x8e: {  	[smem:$0x3FBF] =	sst s2  }
0x8f: {  	_ = 	snop  }
0x90: {  	s2 =	sld [smem:$0x3FD0];
	(tm) =	ssettm $0x1  }
0x91: {  	s18 =	sld [smem:$0x3FFB];
	_ =	sdelay $0x3  }
0x92: {  	_ =	strace s18  }
0x93: {  	s3 =	sld [smem:$0x3FFC];
	_ =	sdelay $0x3  }
0x94: {  	_ =	strace s3  }
0x95: {  	s3 =	sld [smem:$0x3FFD];
	_ =	sdelay $0x3  }
0x96: {  	_ =	strace s3  }
0x97: {  	_ =	strace $0x8FFFFFFF  }
0x98: {  	s19 =	sld [smem:$0x3FDB];
	_ =	sdelay $0x1  }
0x99: {  	s4 =	simm.s32 $_scs_section_size  }
0x9a: {  	s5 =	simm.s32 $_size__tile_overlayer_lowered;
	s6 =	simm.s32 $_tile_overlayer_lowered  }
0x9b: {  	s22 =	simm.s32 $0x1BFF;
	s21 =	sshll.u32 s6, $0x1;
	s3 =	sadd.s32 s4, s19  }
0x9c: {  	s7 =	simm.s32 $0x0;
	s20 =	sshll.u32 s5, $0x1;
	s5 =	sadd.s32 s21, s3  }
0x9d: {  	[timem:s7], [sflag:s22] =	dma.local [hbm:s5], s20  }
0x9e: {  	_ =	swait.ge [sflag:s22], s20  }
0x9f: {  	s4 =	ssub.s32 $0x0, s20;
	[sflag:s22] =	ssyncset.done $0x0  }
0xa0: {  	[sflag:s22] =	ssyncadd.s32 s4;
	_ =	sdelay $0x1  }
0xa1: {  	s23 =	simm.s32 $0x1B8B  }
0xa2: {  	_ =	swait.ge [sflag:s23], $0x1  }
0xa3: {  	[sflag:s23] =	ssyncset.done $0x0  }
0xa4: {  	s25 =	simm.s32 $0x1B8E;
	s24 =	sld [smem:$0x3FFE];
	[sflag:s23] =	ssyncadd.s32 $0xFFFFFFFF  }
0xa5: {  	s26 =	simm.s32 $execute0_lowered;
	[smem:$0x3FD2] =	sst s25  }
0xa6: {  	s5 =	sshll.u32 s26, $0x1;
	_ =	strace $0x80000046;
	[dreg:$0x1] =	wrdreg $0xFFFFFFFF  }
0xa7: {  	s28 =	simm.s32 $_size_execute0_lowered;
	s3 =	sadd.s32 s3, s5;
	[dreg:$0x0] =	wrdreg $0x0  }
0xa8: {  	s5 =	sshll.u32 s28, $0x1;
	[dreg:$0x2] =	wrdreg s3  }
0xa9: {  	[dreg:$0x3] =	wrdreg s5  }
0xaa: {  	[dreg:$0x4] =	wrdreg $0xC0  }
0xab: {  	_ =	task [dreg:s7], $0x5FFFF  }
0xac: {  	[dreg:$0x1] =	wrdreg $0xFFFFFFFF  }
0xad: {  	[dreg:$0x0] =	wrdreg $0x60  }
0xae: {  	[dreg:$0x2] =	wrdreg s2  }
0xaf: {  	[dreg:$0x3] =	wrdreg s24  }
0xb0: {  	[dreg:$0x4] =	wrdreg $0xA8000  }
0xb1: {  	[dreg:$0x5] =	wrdreg $0x9  }
0xb2: {  	_ =	task.clear_ibuf [dreg:s7], $0x6FFFF;
	_ =	strace $0x90000046  }
0xb3: {  	s29 =	simm.s32 $0x9;
	_ =	strace $0x80000048  }
0xb4: {  	_ =	swait.ge [sflag:s29], $0x1  }
0xb5: {  	[sflag:s29] =	ssyncadd.s32 $0xFFFFFFFF  }
0xb6: {  	_ =	strace $0x90000048  }
0xb7: {  	_ =	sfence  }
0xb8: {  	s30 =	sld [smem:$0x0];
	_ =	sdelay $0x2  }
0xb9: {  	s31 =	sshll.u32 s1, $0xD;
	s1 =	sshrl.u32 s1, $0x2  }
0xba: {  	s3 =	sand.u32 $0x4000, s31;
	s1 =	sadd.s32 s1, s30  }
0xbb: {  	s0 =	sor.u32 s3, s0;
	s1 =	sshll.u32 s1, $0x11  }
0xbc: {  	s0 =	sor.u32 s1, s0  }
0xbd: {  	s0 =	sadd.s32 $0x8F2B, s0  }
0xbe: {  	[sflag:s0] =	ssyncadd.remote.s32 $0x1  }
0xbf: {  	_ =	sfence.sel $0xFFFF  }
0xc0: {  	[dreg:$0x0] =	wrdreg $0xFFFFFFFF;
	(pc) =	sbr.abs _section_cstart, $3  }
0xc1: {  	[dreg:$0x1] =	wrdreg $0xFFFFFFFF  }
0xc2: {  	_ =	task.clear_ibuf [dreg:s7], $0x2FFFF;
	_ =	strace $0x9FFFFFFF  }
0xc3: {  	(tm) =	ssettm $0x7FFFFFFF  }
tec
execute0_lowered:
.L_overlay_start_1:
0x0: {  	(tag) =	ssettag $0x1  }
0x1: {  	s12 =	rddreg [dreg:$0x0]  }
0x2: {  	s5 =	rddreg [dreg:$0x1]  }
0x3: {  	s2 =	rddreg [dreg:$0x2]  }
0x4: {  	s0 =	rddreg [dreg:$0x3]  }
0x5: {  	s3 =	simm.s32 $0x0;
	s4 =	srdreg.scid;
	s1 =	stileid.u32  }
0x6: {  	s17 =	simm.s32 $0x3;
	s18 =	simm.s32 $0x1400;
	s19 =	simm.s32 $0x80  }
0x7: {  	s20 =	simm.s32 $0x6800;
	s21 =	simm.s32 $0x1;
	s22 =	simm.s32 $0x2  }
0x8: {  	s23 =	simm.s32 $0x2700;
	s24 =	simm.s32 $0x2780;
	[smem:$0x7FF] =	sst s3  }
0x9: {  	s6 =	sand.u32 $0x1, s4;
	s7 =	smul.u32 $0x2800, s1;
	s13 =	sadd.s32 $0x2A00, s5  }
0xa: {  	s4 =	sadd.s32 $0xCA00, s5;
	s10 =	smul.u32 $0x50000, s1;
	_ =	strace $0x80000047  }
0xb: {  	s8 =	smul.u32 $0x28000, s6;
	s9 =	sshll.u32 s6, $0x4;
	s6 =	ssub.s32 $0x2, s6  }
0xc: {  	s30 =	sor.u32 s1, s9;
	s31 =	sshrl.u32 s6, $0x1;
	s10 =	sshrl.u32 s10, $0x2  }
0xd: {  	s7 =	sadd.s32 s7, s8;
	s8 =	smul.u32 $0x2800, s30;
	s15 =	ssub.s32 s6, s31  }
0xe: {  	s14 =	sadd.s32 s7, s5;
	s5 =	sadd.s32 s10, s2;
	s15 =	smax.u32 s15, $0x1  }
0xf: {  	s6 =	sadd.s32 $0x4000, s5;
	s7 =	sadd.s32 $0x8000, s5;
	s11 =	sshrl.u32 s8, $0x3  }
0x10: {  	s8 =	sadd.s32 $0xC000, s5;
	s9 =	sadd.s32 $0x10000, s5;
	s14 =	sadd.s32 $0x42B600, s14  }
0x11: {  	s16 =	sadd.s32 $0x280, s11;
	s10 =	sadd.s32 s12, s11;
	s11 =	sadd.s32 s13, s11  }
0x12: {  	v0 =	vimm.f32 $0.0e+00;
	s12 =	sadd.s32 s12, s16;
	s13 =	sadd.s32 s13, s16;
	s16 =	simm.s32 $0x2800  }
.LBB2_1:
0x13: {  	s25 =	simm.s32 $0x0;
	s26 =	simm.s32 $0x200  }
.LBB2_2:
0x14: {  	p0 =	sne.s32 s26, $0xFE00;
	[tilespmem:s25+$0x2870] =	vst v0  }
0x15: {  	[tilespmem:s25+$0x2800] =	vst v0  }
0x16: {  	[tilespmem:s25+$0x2810] =	vst v0  }
.Ltmp0:
0x17: {  	[tilespmem:s25+$0x2820] =	vst v0;
	(pc) =	sbr.rel @p0 .LBB2_2-.Ltmp0, $4  }
0x18: {  	[tilespmem:s25+$0x2830] =	vst v0  }
0x19: {  	[tilespmem:s25+$0x2840] =	vst v0  }
0x1a: {  	[tilespmem:s25+$0x2850] =	vst v0  }
0x1b: {  	[tilespmem:s25+$0x2860] =	vst v0;
	s25 =	sshra.s32 s26, $0x2;
	s26 =	sadd.s32 $0x200, s26  }
0x1c: {  	[tilespmem:s25+$0x2870] =	vst v0  }
0x1d: {  	[tilespmem:s25+$0x2800] =	vst v0  }
0x1e: {  	[tilespmem:s25+$0x2810] =	vst v0  }
0x1f: {  	[tilespmem:s25+$0x2820] =	vst v0  }
0x20: {  	[tilespmem:s25+$0x2830] =	vst v0  }
0x21: {  	[tilespmem:s25+$0x2840] =	vst v0  }
0x22: {  	[tilespmem:s25+$0x2850] =	vst v0  }
0x23: {  	[tilespmem:s25+$0x2860] =	vst v0  }
0x24: {  	[spmem:s5] =	stream.linear.scatter [tilespmem:s16], [sflag:$0x3], $0x4000, $0x38;
	[tilespmem:$0x1E800] =	vst v63  }
0x25: {  	_ =	swait.ge [sflag:s17], $0x4000  }
0x26: {  	[sflag:s17] =	ssyncset.done $0x0  }
0x27: {  	[sflag:s17] =	ssyncadd.s32 $0xFFFFC000  }
0x28: {  	[spmem:s6] =	stream.linear.scatter [tilespmem:s16], [sflag:$0x3], $0x4000, $0x38;
	[tilespmem:$0x1E800] =	vst v63  }
0x29: {  	_ =	swait.ge [sflag:s17], $0x4000  }
0x2a: {  	[sflag:s17] =	ssyncset.done $0x0  }
0x2b: {  	[sflag:s17] =	ssyncadd.s32 $0xFFFFC000  }
0x2c: {  	[spmem:s7] =	stream.linear.scatter [tilespmem:s16], [sflag:$0x3], $0x4000, $0x38;
	[tilespmem:$0x1E800] =	vst v63  }
0x2d: {  	_ =	swait.ge [sflag:s17], $0x4000  }
0x2e: {  	[sflag:s17] =	ssyncset.done $0x0  }
0x2f: {  	[sflag:s17] =	ssyncadd.s32 $0xFFFFC000  }
0x30: {  	[spmem:s8] =	stream.linear.scatter [tilespmem:s16], [sflag:$0x3], $0x4000, $0x38;
	[tilespmem:$0x1E800] =	vst v63  }
0x31: {  	_ =	swait.ge [sflag:s17], $0x4000  }
0x32: {  	[sflag:s17] =	ssyncset.done $0x0  }
0x33: {  	[sflag:s17] =	ssyncadd.s32 $0xFFFFC000  }
0x34: {  	[spmem:s9] =	stream.linear.scatter [tilespmem:s16], [sflag:$0x3], $0x4000, $0x38;
	[tilespmem:$0x1E800] =	vst v63  }
0x35: {  	_ =	swait.ge [sflag:s17], $0x4000  }
0x36: {  	[sflag:s17] =	ssyncset.done $0x0  }
0x37: {  	[sflag:s17] =	ssyncadd.s32 $0xFFFFC000  }
0x38: {  	s28 =	simm.s32 $0x0;
	[bflag:$0x0] =	sbarrier.arrive $0xFFFF  }
0x39: {  	[tilespmem:s28], [sflag:$0x3] =	stream.linear.gather [hbm4b:s10+s28], $0x1400, $0x38;
	[tilespmem:$0x1E800] =	vst v63  }
0x3a: {  	_ =	swait.ge [sflag:s17], $0x1400  }
0x3b: {  	[sflag:s17] =	ssyncset.done $0x0  }
0x3c: {  	[sflag:s17] =	ssyncadd.s32 $0xFFFFEC00  }
0x3d: {  	[tilespmem:s18], [sflag:$0x3] =	stream.linear.gather [hbm4b:s11+s28], $0x1400, $0x38;
	[tilespmem:$0x1E800] =	vst v63  }
0x3e: {  	_ =	swait.ge [sflag:s17], $0x1400  }
0x3f: {  	[sflag:s17] =	ssyncset.done $0x0  }
0x40: {  	[sflag:s17] =	ssyncadd.s32 $0xFFFFEC00  }
0x41: {  	[tilespmem:s16], [sflag:$0x1] =	stream.indirect.gather [hbm4b:s4+s19], $0x80, s28, s19, $0xb8;
	[tilespmem:$0x1E800] =	vst v63  }
0x42: {  	_ = 	snop  }
0x43: {  	[tilespmem:s20], [sflag:$0x2] =	stream.indirect.gather [hbm4b:s4+s19], $0x80, s19, s19, $0xb8;
	[tilespmem:$0x1E800] =	vst v63  }
0x44: {  	_ =	swait.ge [sflag:s21], $0x4000  }
0x45: {  	[sflag:s21] =	ssyncset.done $0x0  }
0x46: {  	s29 =	simm.s32 $0x1400;
	[sflag:s21] =	ssyncadd.s32 $0xFFFFC000  }
0x47: {  	[spmem:s2] =	stream.indirect.scatter.add.f32 [tilespmem:s16], [sflag:$0x3], $0x80, s29, s19, $0xb8;
	[tilespmem:$0x1E800] =	vst v63  }
0x48: {  	_ =	swait.ge [sflag:s17], $0x4000  }
0x49: {  	[sflag:s17] =	ssyncset.done $0x0  }
0x4a: {  	s30 =	simm.s32 $0x100;
	[sflag:s17] =	ssyncadd.s32 $0xFFFFC000  }
0x4b: {  	[tilespmem:s16], [sflag:$0x1] =	stream.indirect.gather [hbm4b:s4+s19], $0x80, s30, s19, $0xb8;
	[tilespmem:$0x1E800] =	vst v63  }
0x4c: {  	_ =	swait.ge [sflag:s22], $0x4000  }
0x4d: {  	[sflag:s22] =	ssyncset.done $0x0  }
0x4e: {  	s31 =	simm.s32 $0x1480;
	[sflag:s22] =	ssyncadd.s32 $0xFFFFC000  }
0x4f: {  	[spmem:s2] =	stream.indirect.scatter.add.f32 [tilespmem:s20], [sflag:$0x3], $0x80, s31, s19, $0xb8;
	[tilespmem:$0x1E800] =	vst v63  }
0x50: {  	_ =	swait.ge [sflag:s17], $0x4000  }
0x51: {  	[sflag:s17] =	ssyncset.done $0x0  }
0x52: {  	s25 =	simm.s32 $0x400;
	s26 =	simm.s32 $0x180;
	[sflag:s17] =	ssyncadd.s32 $0xFFFFC000  }
.LBB2_4:
0x53: {  	[tilespmem:s20], [sflag:$0x2] =	stream.indirect.gather [hbm4b:s4+s19], $0x80, s26, s19, $0xb8;
	[tilespmem:$0x1E800] =	vst v63  }
0x54: {  	s26 =	smov.u32 s25  }
0x55: {  	p0 =	sne.s32 s25, $0x4800;
	s25 =	sadd.s32 $0x400, s25;
	_ =	swait.ge [sflag:s21], $0x4000  }
0x56: {  	s26 =	sshra.s32 s26, $0x2;
	[sflag:s21] =	ssyncset.done $0x0  }
0x57: {  	s28 =	sadd.s32 $0x1400, s26;
	[sflag:s21] =	ssyncadd.s32 $0xFFFFC000  }
0x58: {  	[spmem:s2] =	stream.indirect.scatter.add.f32 [tilespmem:s16], [sflag:$0x3], $0x80, s28, s19, $0xb8;
	[tilespmem:$0x1E800] =	vst v63  }
0x59: {  	_ =	swait.ge [sflag:s17], $0x4000  }
0x5a: {  	[sflag:s17] =	ssyncset.done $0x0  }
0x5b: {  	s28 =	sadd.s32 $0x100, s26;
	[sflag:s17] =	ssyncadd.s32 $0xFFFFC000  }
0x5c: {  	[tilespmem:s16], [sflag:$0x1] =	stream.indirect.gather [hbm4b:s4+s19], $0x80, s28, s19, $0xb8;
	[tilespmem:$0x1E800] =	vst v63  }
0x5d: {  	_ =	swait.ge [sflag:s22], $0x4000  }
0x5e: {  	[sflag:s22] =	ssyncset.done $0x0  }
.Ltmp1:
0x5f: {  	s28 =	sadd.s32 $0x1480, s26;
	[sflag:s22] =	ssyncadd.s32 $0xFFFFC000;
	(pc) =	sbr.rel @p0 .LBB2_4-.Ltmp1, $4  }
0x60: {  	[spmem:s2] =	stream.indirect.scatter.add.f32 [tilespmem:s20], [sflag:$0x3], $0x80, s28, s19, $0xb8;
	[tilespmem:$0x1E800] =	vst v63  }
0x61: {  	_ =	swait.ge [sflag:s17], $0x4000  }
0x62: {  	[sflag:s17] =	ssyncset.done $0x0  }
0x63: {  	s26 =	sadd.s32 $0x180, s26;
	[sflag:s17] =	ssyncadd.s32 $0xFFFFC000  }
0x64: {  	[tilespmem:s20], [sflag:$0x2] =	stream.indirect.gather [hbm4b:s4+s19], $0x80, s26, s19, $0xb8;
	[tilespmem:$0x1E800] =	vst v63  }
0x65: {  	_ =	swait.ge [sflag:s21], $0x4000  }
0x66: {  	[sflag:s21] =	ssyncset.done $0x0  }
0x67: {  	[sflag:s21] =	ssyncadd.s32 $0xFFFFC000  }
0x68: {  	[spmem:s2] =	stream.indirect.scatter.add.f32 [tilespmem:s16], [sflag:$0x3], $0x80, s23, s19, $0xb8;
	[tilespmem:$0x1E800] =	vst v63  }
0x69: {  	_ =	swait.ge [sflag:s17], $0x4000  }
0x6a: {  	[sflag:s17] =	ssyncset.done $0x0  }
0x6b: {  	[sflag:s17] =	ssyncadd.s32 $0xFFFFC000  }
0x6c: {  	_ =	swait.ge [sflag:s22], $0x4000  }
0x6d: {  	[sflag:s22] =	ssyncset.done $0x0  }
0x6e: {  	[sflag:s22] =	ssyncadd.s32 $0xFFFFC000  }
0x6f: {  	[spmem:s2] =	stream.indirect.scatter.add.f32 [tilespmem:s20], [sflag:$0x3], $0x80, s24, s19, $0xb8;
	[tilespmem:$0x1E800] =	vst v63  }
0x70: {  	_ =	swait.ge [sflag:s17], $0x4000  }
0x71: {  	[sflag:s17] =	ssyncset.done $0x0  }
0x72: {  	s25 =	simm.s32 $0x0;
	[sflag:s17] =	ssyncadd.s32 $0xFFFFC000  }
0x73: {  	[tilespmem:s25], [sflag:$0x3] =	stream.linear.gather [hbm4b:s12+s25], $0x1400, $0x38;
	[tilespmem:$0x1E800] =	vst v63  }
0x74: {  	_ =	swait.ge [sflag:s17], $0x1400  }
0x75: {  	[sflag:s17] =	ssyncset.done $0x0  }
0x76: {  	[sflag:s17] =	ssyncadd.s32 $0xFFFFEC00  }
0x77: {  	[tilespmem:s18], [sflag:$0x3] =	stream.linear.gather [hbm4b:s13+s25], $0x1400, $0x38;
	[tilespmem:$0x1E800] =	vst v63  }
0x78: {  	_ =	swait.ge [sflag:s17], $0x1400  }
0x79: {  	[sflag:s17] =	ssyncset.done $0x0  }
0x7a: {  	[sflag:s17] =	ssyncadd.s32 $0xFFFFEC00  }
0x7b: {  	[tilespmem:s16], [sflag:$0x1] =	stream.indirect.gather [hbm4b:s4+s19], $0x80, s25, s19, $0xb8;
	[tilespmem:$0x1E800] =	vst v63  }
0x7c: {  	_ = 	snop  }
0x7d: {  	[tilespmem:s20], [sflag:$0x2] =	stream.indirect.gather [hbm4b:s4+s19], $0x80, s19, s19, $0xb8;
	[tilespmem:$0x1E800] =	vst v63  }
0x7e: {  	_ =	swait.ge [sflag:s21], $0x4000  }
0x7f: {  	[sflag:s21] =	ssyncset.done $0x0  }
0x80: {  	s29 =	simm.s32 $0x1400;
	[sflag:s21] =	ssyncadd.s32 $0xFFFFC000  }
0x81: {  	[spmem:s2] =	stream.indirect.scatter.add.f32 [tilespmem:s16], [sflag:$0x3], $0x80, s29, s19, $0xb8;
	[tilespmem:$0x1E800] =	vst v63  }
0x82: {  	_ =	swait.ge [sflag:s17], $0x4000  }
0x83: {  	[sflag:s17] =	ssyncset.done $0x0  }
0x84: {  	s30 =	simm.s32 $0x100;
	[sflag:s17] =	ssyncadd.s32 $0xFFFFC000  }
0x85: {  	[tilespmem:s16], [sflag:$0x1] =	stream.indirect.gather [hbm4b:s4+s19], $0x80, s30, s19, $0xb8;
	[tilespmem:$0x1E800] =	vst v63  }
0x86: {  	_ =	swait.ge [sflag:s22], $0x4000  }
0x87: {  	[sflag:s22] =	ssyncset.done $0x0  }
0x88: {  	s31 =	simm.s32 $0x1480;
	[sflag:s22] =	ssyncadd.s32 $0xFFFFC000  }
0x89: {  	[spmem:s2] =	stream.indirect.scatter.add.f32 [tilespmem:s20], [sflag:$0x3], $0x80, s31, s19, $0xb8;
	[tilespmem:$0x1E800] =	vst v63  }
0x8a: {  	_ =	swait.ge [sflag:s17], $0x4000  }
0x8b: {  	[sflag:s17] =	ssyncset.done $0x0  }
0x8c: {  	s26 =	simm.s32 $0x180;
	s25 =	simm.s32 $0x400;
	[sflag:s17] =	ssyncadd.s32 $0xFFFFC000  }
.LBB2_6:
0x8d: {  	[tilespmem:s20], [sflag:$0x2] =	stream.indirect.gather [hbm4b:s4+s19], $0x80, s26, s19, $0xb8;
	[tilespmem:$0x1E800] =	vst v63  }
0x8e: {  	s26 =	smov.u32 s25  }
0x8f: {  	p0 =	sne.s32 s25, $0x4800;
	s25 =	sadd.s32 $0x400, s25;
	_ =	swait.ge [sflag:s21], $0x4000  }
0x90: {  	s26 =	sshra.s32 s26, $0x2;
	[sflag:s21] =	ssyncset.done $0x0  }
0x91: {  	s28 =	sadd.s32 $0x1400, s26;
	[sflag:s21] =	ssyncadd.s32 $0xFFFFC000  }
0x92: {  	[spmem:s2] =	stream.indirect.scatter.add.f32 [tilespmem:s16], [sflag:$0x3], $0x80, s28, s19, $0xb8;
	[tilespmem:$0x1E800] =	vst v63  }
0x93: {  	_ =	swait.ge [sflag:s17], $0x4000  }
0x94: {  	[sflag:s17] =	ssyncset.done $0x0  }
0x95: {  	s28 =	sadd.s32 $0x100, s26;
	[sflag:s17] =	ssyncadd.s32 $0xFFFFC000  }
0x96: {  	[tilespmem:s16], [sflag:$0x1] =	stream.indirect.gather [hbm4b:s4+s19], $0x80, s28, s19, $0xb8;
	[tilespmem:$0x1E800] =	vst v63  }
0x97: {  	_ =	swait.ge [sflag:s22], $0x4000  }
0x98: {  	[sflag:s22] =	ssyncset.done $0x0  }
.Ltmp2:
0x99: {  	s28 =	sadd.s32 $0x1480, s26;
	[sflag:s22] =	ssyncadd.s32 $0xFFFFC000;
	(pc) =	sbr.rel @p0 .LBB2_6-.Ltmp2, $4  }
0x9a: {  	[spmem:s2] =	stream.indirect.scatter.add.f32 [tilespmem:s20], [sflag:$0x3], $0x80, s28, s19, $0xb8;
	[tilespmem:$0x1E800] =	vst v63  }
0x9b: {  	_ =	swait.ge [sflag:s17], $0x4000  }
0x9c: {  	[sflag:s17] =	ssyncset.done $0x0  }
0x9d: {  	s26 =	sadd.s32 $0x180, s26;
	[sflag:s17] =	ssyncadd.s32 $0xFFFFC000  }
0x9e: {  	[tilespmem:s20], [sflag:$0x2] =	stream.indirect.gather [hbm4b:s4+s19], $0x80, s26, s19, $0xb8;
	[tilespmem:$0x1E800] =	vst v63  }
0x9f: {  	_ =	swait.ge [sflag:s21], $0x4000  }
0xa0: {  	[sflag:s21] =	ssyncset.done $0x0  }
0xa1: {  	[sflag:s21] =	ssyncadd.s32 $0xFFFFC000  }
0xa2: {  	[spmem:s2] =	stream.indirect.scatter.add.f32 [tilespmem:s16], [sflag:$0x3], $0x80, s23, s19, $0xb8;
	[tilespmem:$0x1E800] =	vst v63  }
0xa3: {  	_ =	swait.ge [sflag:s17], $0x4000  }
0xa4: {  	[sflag:s17] =	ssyncset.done $0x0  }
0xa5: {  	[sflag:s17] =	ssyncadd.s32 $0xFFFFC000  }
0xa6: {  	_ =	swait.ge [sflag:s22], $0x4000  }
0xa7: {  	[sflag:s22] =	ssyncset.done $0x0  }
0xa8: {  	[sflag:s22] =	ssyncadd.s32 $0xFFFFC000  }
0xa9: {  	[spmem:s2] =	stream.indirect.scatter.add.f32 [tilespmem:s20], [sflag:$0x3], $0x80, s24, s19, $0xb8;
	[tilespmem:$0x1E800] =	vst v63  }
0xaa: {  	_ =	swait.ge [sflag:s17], $0x4000  }
0xab: {  	s25 =	sshll.u32 s1, $0x6;
	s3 =	sadd.s32 $0x1, s3;
	[sflag:s17] =	ssyncset.done $0x0  }
0xac: {  	s31 =	sshrl.u32 s5, $0x3;
	p0 =	sne.s32 s3, s15;
	[sflag:s17] =	ssyncadd.s32 $0xFFFFC000  }
.Ltmp3:
0xad: {  	s25 =	sor.u32 $0x1C03, s25;
	[bflag:$0x0] =	sbarrier.arrive $0xFFFF;
	(pc) =	sbr.rel @p0 .LBB2_1-.Ltmp3, $4  }
0xae: {  	[hbm:s14], [sflag:s25] =	dma.local [spmem:s31], $0x2800  }
0xaf: {  	_ =	swait.ge [sflag:s17], $0x2800  }
0xb0: {  	[sflag:s17] =	ssyncset.done $0x0  }
0xb1: {  	[sflag:s17] =	ssyncadd.s32 $0xFFFFD800  }
0xb2: {  	_ =	sfence.sel $0x180000  }
0xb3: {  	[bflag:$0x0] =	sbarrier.arrive $0xFFFF  }
0xb4: {  	p0 =	sne.s32 s1, $0x0;
	_ =	strace $0x90000047  }
0xb5: {  	s0 =	sadd.s32 @!p0 $0x100000, s0;
	[bflag:$0x2] =	sbarrier.arrive $0xFFFF  }
0xb6: {  	[sflag:s0] =	ssyncadd.tile.s32 @!p0 $0x1;
	_ =	shalt  }
.Lfunc_end2:
_tile_overlayer_lowered:
.L_overlay_start_2:
0xb7: {  	(tag) =	ssettag $0x2  }
0xb8: {  	s0 =	rddreg [dreg:$0x0];
	s2 =	stileid.u32  }
0xb9: {  	s1 =	rddreg [dreg:$0x1];
	p0 =	sne.s32 s2, $0x0  }
0xba: {  	s3 =	rddreg [dreg:$0x2];
	[bflag:$0x3] =	sbarrier.arrive $0xFFFF;
	s2 =	simm.s32 @!p0 $0x1C03  }
0xbb: {  	[timem:s3], [sflag:s2] =	dma.local @!p0 [hbm:s0], s1  }
0xbc: {  	s0 =	simm.s32 @!p0 $0x3  }
0xbd: {  	_ =	swait.ge @!p0 [sflag:s0], s1  }
0xbe: {  	s1 =	ssub.s32 @!p0 $0x0, s1;
	[sflag:s0] =	ssyncset.done @!p0 $0x0  }
0xbf: {  	[sflag:s0] =	ssyncadd.s32 @!p0 s1  }
0xc0: {  	[bflag:$0x3] =	sbarrier.arrive $0xFFFF  }
0xc1: {  	_ =	shalt  }

</sc_bundles>
